<compile_context>
chip_gen: v7x
topology: tpu7x:2x2x1
jax: 0.10.2.dev20260603
libtpu: 0.0.44.dev20260713+nightly
codegen_flags: <defaults>
</compile_context>

<pallas_src>
import functools

import jax
import jax.numpy as jnp
from jax import lax
from jax.experimental import pallas as pl
from jax.experimental.pallas import tpu as pltpu
from jax.experimental.pallas import tpu_sc as plsc

N = 16777216
N_SC = N // 2
NUM_CORES = 2
NUM_SUBCORES = 16
NW = NUM_CORES * NUM_SUBCORES
PER_W = N_SC // NW
CHUNK = 16384
NCHUNK = PER_W // CHUNK
NSLOT = 2
LANES = 16

TC_BLK = 524288
SC_GRID = N_SC // TC_BLK
TC_BLK0 = SC_GRID
TC_GRID = (N - N_SC) // TC_BLK


def _make_sc_add():
    mesh = plsc.VectorSubcoreMesh(core_axis_name="c", subcore_axis_name="s")

    @functools.partial(
        pl.kernel,
        mesh=mesh,
        out_type=jax.ShapeDtypeStruct((N,), jnp.float32),
        scratch_types=[
            pltpu.VMEM((NSLOT, CHUNK), jnp.float32),
            pltpu.VMEM((NSLOT, CHUNK), jnp.float32),
            pltpu.VMEM((NSLOT, CHUNK), jnp.float32),
        ] + [pltpu.SemaphoreType.DMA] * (3 * NSLOT),
    )
    def add_kernel(x_hbm, b_hbm, out_hbm, xv, bv, rv, *sems):
        in_x = sems[0:NSLOT]
        in_b = sems[NSLOT:2 * NSLOT]
        out_s = sems[2 * NSLOT:3 * NSLOT]
        wid = lax.axis_index("s") * NUM_CORES + lax.axis_index("c")
        base = wid * PER_W

        def start_in(s, g):
            off = base + g * CHUNK
            pltpu.async_copy(x_hbm.at[pl.ds(off, CHUNK)], xv.at[s], in_x[s])
            pltpu.async_copy(b_hbm.at[pl.ds(off, CHUNK)], bv.at[s], in_b[s])

        def wait_in(s, g):
            off = base + g * CHUNK
            pltpu.make_async_copy(x_hbm.at[pl.ds(off, CHUNK)], xv.at[s],
                                  in_x[s]).wait()
            pltpu.make_async_copy(b_hbm.at[pl.ds(off, CHUNK)], bv.at[s],
                                  in_b[s]).wait()

        def start_out(s, g):
            off = base + g * CHUNK
            pltpu.async_copy(rv.at[s], out_hbm.at[pl.ds(off, CHUNK)], out_s[s])

        def wait_out(s, g):
            off = base + g * CHUNK
            pltpu.make_async_copy(rv.at[s], out_hbm.at[pl.ds(off, CHUNK)],
                                  out_s[s]).wait()

        def compute(s):
            @plsc.parallel_loop(0, CHUNK, step=LANES, unroll=8)
            def add_body(i):
                sl = pl.ds(i, LANES)
                rv[s, sl] = xv[s, sl] + bv[s, sl]

        for s in range(NSLOT):
            start_in(s, s)
        for s in range(NSLOT):
            wait_in(s, s)
            compute(s)
            start_out(s, s)
            start_in(s, s + NSLOT)

        def group_body(k, carry):
            g = NSLOT * k

            def step(s):
                gg = g + s
                wait_in(s, gg)
                wait_out(s, gg - NSLOT)
                compute(s)
                start_out(s, gg)
                start_in(s, gg + NSLOT)

            for s in range(NSLOT):
                step(s)
            return carry

        lax.fori_loop(1, NCHUNK // NSLOT - 1, group_body, 0)

        for s in range(NSLOT):
            g = NCHUNK - NSLOT + s
            wait_in(s, g)
            wait_out(s, g - NSLOT)
            compute(s)
            start_out(s, g)
        for s in range(NSLOT):
            wait_out(s, NCHUNK - NSLOT + s)

    return add_kernel


_sc_add = _make_sc_add()


def _tc_body(x_ref, b_ref, sc_ref, o_ref):
    del sc_ref
    o_ref[...] = x_ref[...] + b_ref[...]


def _tc_add_rest(x, b, sc_out):
    return pl.pallas_call(
        _tc_body,
        grid=(TC_GRID,),
        in_specs=[
            pl.BlockSpec((TC_BLK,), lambda i: (i + TC_BLK0,)),
            pl.BlockSpec((TC_BLK,), lambda i: (i + TC_BLK0,)),
            pl.BlockSpec(memory_space=pl.ANY),
        ],
        out_specs=pl.BlockSpec((TC_BLK,), lambda i: (i + TC_BLK0,)),
        out_shape=jax.ShapeDtypeStruct((N,), jnp.float32),
        input_output_aliases={2: 0},
    )(x, b, sc_out)


def kernel(X, bias, out_idxs):
    del out_idxs
    sc_out = _sc_add(X, bias)
    return _tc_add_rest(X, bias, sc_out)

# --- scband reference (transcript-rebuilt; emitter-appended) ---
"""Pipeline reference for scband-freeze-bias-parameterization-90864328115017 (READ-ONLY COPY).

The authoritative reference and input builder live on the scoring server;
editing this copy changes nothing except your own understanding.
"""

import jax, jax.numpy as jnp
import numpy as np

LEN = 16777216

def setup_inputs(seed: int = 0) -> dict:
    key = jax.random.key(seed)
    kx, kb = jax.random.split(key)
    X = jax.random.normal(kx, (LEN,), dtype=jnp.float32)
    # learned bias parameter; initialized to zeros in the torch module, we use small
    # random values so the add is numerically nontrivial
    bias = jax.random.normal(kb, (LEN,), dtype=jnp.float32) * 0.02
    # out_idxs after __init__ (set_out_idxs([])) covers ALL indices, so forward takes
    # the fast full-add branch: res = X + bias. We keep out_idxs for faithfulness.
    out_idxs = jnp.arange(LEN, dtype=jnp.int64)
    return {"X": X, "bias": bias, "out_idxs": out_idxs}

def reference(X, bias, out_idxs):
    # Faithful translation of FreezeBiasParameterization.forward after __init__:
    # out_idxs has length == len, so the module does res = X.clone(); res += bias.
    # (The scatter branch res[out_idxs] += bias would be
    #  X.at[out_idxs].add(bias) and is statically dead here.)
    if out_idxs.shape[0] == X.shape[0]:
        res = X + bias
    else:
        res = X.at[out_idxs].add(bias)
    return res

if __name__ == "__main__":
    import jax
    _d = setup_inputs()
    print(jax.jit(kernel)(*tuple(_d.values())))

</pallas_src>

<mosaic_0001>
#map = affine_map<(d0, d1) -> (0)>
module attributes {stable_mosaic.version = 14 : i64} {
  func.func @add_kernel(%arg0: i32, %arg1: i32, %arg2: memref<16777216xf32, #tpu.memory_space<hbm>>, %arg3: memref<16777216xf32, #tpu.memory_space<hbm>>, %arg4: memref<16777216xf32, #tpu.memory_space<hbm>>, %arg5: memref<2x16384xf32, #tpu.memory_space<vmem>>, %arg6: memref<2x16384xf32, #tpu.memory_space<vmem>>, %arg7: memref<2x16384xf32, #tpu.memory_space<vmem>>, %arg8: memref<!tpu.dma_semaphore, #tpu.memory_space<semaphore_mem>>, %arg9: memref<!tpu.dma_semaphore, #tpu.memory_space<semaphore_mem>>, %arg10: memref<!tpu.dma_semaphore, #tpu.memory_space<semaphore_mem>>, %arg11: memref<!tpu.dma_semaphore, #tpu.memory_space<semaphore_mem>>, %arg12: memref<!tpu.dma_semaphore, #tpu.memory_space<semaphore_mem>>, %arg13: memref<!tpu.dma_semaphore, #tpu.memory_space<semaphore_mem>>) attributes {dimension_semantics = [#tpu.dimension_semantics<core_parallel>, #tpu.dimension_semantics<subcore_parallel>], iteration_bounds = array<i64: 2, 16>, scalar_prefetch = 0 : i64, scratch_operands = 9 : i64, tpu.core_type = #tpu.core_type<sc_vector_subcore>, window_params = [{transform_indices = #map}, {transform_indices = #map}, {transform_indices = #map}]} {
    %mul3A = arith.constant 2 : i32
    %mul3A_0 = arith.muli %arg1, %mul3A : i32
    %add3A = arith.addi %mul3A_0, %arg0 : i32
    %mul3A_1 = arith.constant 262144 : i32
    %mul3A_2 = arith.muli %add3A, %mul3A_1 : i32
    %add3A_3 = arith.constant 0 : i32
    %add3A_4 = arith.addi %mul3A_2, %add3A_3 : i32
    %dma_start3A = arith.constant 0 : i32
    %dma_start3A_5 = arith.constant 0 : i32
    %dma_start3A_6 = tpu.memref_slice %arg5[%dma_start3A, %dma_start3A_5] : memref<2x16384xf32, #tpu.memory_space<vmem>> -> memref<1x16384xf32, #tpu.memory_space<vmem>>
    %dma_start3A_7 = tpu.memref_squeeze %dma_start3A_6 : memref<1x16384xf32, #tpu.memory_space<vmem>> -> memref<16384xf32, #tpu.memory_space<vmem>>
    %dma_start3A_8 = tpu.memref_slice %arg2[%add3A_4] : memref<16777216xf32, #tpu.memory_space<hbm>> -> memref<16384xf32, #tpu.memory_space<hbm>>
    %dma_start3A_9 = arith.constant 0 : i32
    %dma_start3A_10 = tpu.memref_slice %arg5[%dma_start3A, %dma_start3A_9] : memref<2x16384xf32, #tpu.memory_space<vmem>> -> memref<1x16384xf32, #tpu.memory_space<vmem>>
    %dma_start3A_11 = tpu.memref_squeeze %dma_start3A_10 : memref<1x16384xf32, #tpu.memory_space<vmem>> -> memref<16384xf32, #tpu.memory_space<vmem>>
    %dma_start3A_12 = tpu.memref_slice %arg2[%add3A_4] : memref<16777216xf32, #tpu.memory_space<hbm>> -> memref<16384xf32, #tpu.memory_space<hbm>>
    tpu.enqueue_dma source(%dma_start3A_12 : memref<16384xf32, #tpu.memory_space<hbm>>) target(%dma_start3A_11 : memref<16384xf32, #tpu.memory_space<vmem>>) target_semaphore(%arg8 : memref<!tpu.dma_semaphore, #tpu.memory_space<semaphore_mem>>)
    %dma_start3A_13 = arith.constant 0 : i32
    %dma_start3A_14 = arith.constant 0 : i32
    %dma_start3A_15 = tpu.memref_slice %arg6[%dma_start3A_13, %dma_start3A_14] : memref<2x16384xf32, #tpu.memory_space<vmem>> -> memref<1x16384xf32, #tpu.memory_space<vmem>>
    %dma_start3A_16 = tpu.memref_squeeze %dma_start3A_15 : memref<1x16384xf32, #tpu.memory_space<vmem>> -> memref<16384xf32, #tpu.memory_space<vmem>>
    %dma_start3A_17 = tpu.memref_slice %arg3[%add3A_4] : memref<16777216xf32, #tpu.memory_space<hbm>> -> memref<16384xf32, #tpu.memory_space<hbm>>
    %dma_start3A_18 = arith.constant 0 : i32
    %dma_start3A_19 = tpu.memref_slice %arg6[%dma_start3A_13, %dma_start3A_18] : memref<2x16384xf32, #tpu.memory_space<vmem>> -> memref<1x16384xf32, #tpu.memory_space<vmem>>
    %dma_start3A_20 = tpu.memref_squeeze %dma_start3A_19 : memref<1x16384xf32, #tpu.memory_space<vmem>> -> memref<16384xf32, #tpu.memory_space<vmem>>
    %dma_start3A_21 = tpu.memref_slice %arg3[%add3A_4] : memref<16777216xf32, #tpu.memory_space<hbm>> -> memref<16384xf32, #tpu.memory_space<hbm>>
    tpu.enqueue_dma source(%dma_start3A_21 : memref<16384xf32, #tpu.memory_space<hbm>>) target(%dma_start3A_20 : memref<16384xf32, #tpu.memory_space<vmem>>) target_semaphore(%arg10 : memref<!tpu.dma_semaphore, #tpu.memory_space<semaphore_mem>>)
    %add3A_22 = arith.constant 16384 : i32
    %add3A_23 = arith.addi %mul3A_2, %add3A_22 : i32
    %dma_start3A_24 = arith.constant 1 : i32
    %dma_start3A_25 = arith.constant 0 : i32
    %dma_start3A_26 = tpu.memref_slice %arg5[%dma_start3A_24, %dma_start3A_25] : memref<2x16384xf32, #tpu.memory_space<vmem>> -> memref<1x16384xf32, #tpu.memory_space<vmem>>
    %dma_start3A_27 = tpu.memref_squeeze %dma_start3A_26 : memref<1x16384xf32, #tpu.memory_space<vmem>> -> memref<16384xf32, #tpu.memory_space<vmem>>
    %dma_start3A_28 = tpu.memref_slice %arg2[%add3A_23] : memref<16777216xf32, #tpu.memory_space<hbm>> -> memref<16384xf32, #tpu.memory_space<hbm>>
    %dma_start3A_29 = arith.constant 0 : i32
    %dma_start3A_30 = tpu.memref_slice %arg5[%dma_start3A_24, %dma_start3A_29] : memref<2x16384xf32, #tpu.memory_space<vmem>> -> memref<1x16384xf32, #tpu.memory_space<vmem>>
    %dma_start3A_31 = tpu.memref_squeeze %dma_start3A_30 : memref<1x16384xf32, #tpu.memory_space<vmem>> -> memref<16384xf32, #tpu.memory_space<vmem>>
    %dma_start3A_32 = tpu.memref_slice %arg2[%add3A_23] : memref<16777216xf32, #tpu.memory_space<hbm>> -> memref<16384xf32, #tpu.memory_space<hbm>>
    tpu.enqueue_dma source(%dma_start3A_32 : memref<16384xf32, #tpu.memory_space<hbm>>) target(%dma_start3A_31 : memref<16384xf32, #tpu.memory_space<vmem>>) target_semaphore(%arg9 : memref<!tpu.dma_semaphore, #tpu.memory_space<semaphore_mem>>)
    %dma_start3A_33 = arith.constant 1 : i32
    %dma_start3A_34 = arith.constant 0 : i32
    %dma_start3A_35 = tpu.memref_slice %arg6[%dma_start3A_33, %dma_start3A_34] : memref<2x16384xf32, #tpu.memory_space<vmem>> -> memref<1x16384xf32, #tpu.memory_space<vmem>>
    %dma_start3A_36 = tpu.memref_squeeze %dma_start3A_35 : memref<1x16384xf32, #tpu.memory_space<vmem>> -> memref<16384xf32, #tpu.memory_space<vmem>>
    %dma_start3A_37 = tpu.memref_slice %arg3[%add3A_23] : memref<16777216xf32, #tpu.memory_space<hbm>> -> memref<16384xf32, #tpu.memory_space<hbm>>
    %dma_start3A_38 = arith.constant 0 : i32
    %dma_start3A_39 = tpu.memref_slice %arg6[%dma_start3A_33, %dma_start3A_38] : memref<2x16384xf32, #tpu.memory_space<vmem>> -> memref<1x16384xf32, #tpu.memory_space<vmem>>
    %dma_start3A_40 = tpu.memref_squeeze %dma_start3A_39 : memref<1x16384xf32, #tpu.memory_space<vmem>> -> memref<16384xf32, #tpu.memory_space<vmem>>
    %dma_start3A_41 = tpu.memref_slice %arg3[%add3A_23] : memref<16777216xf32, #tpu.memory_space<hbm>> -> memref<16384xf32, #tpu.memory_space<hbm>>
    tpu.enqueue_dma source(%dma_start3A_41 : memref<16384xf32, #tpu.memory_space<hbm>>) target(%dma_start3A_40 : memref<16384xf32, #tpu.memory_space<vmem>>) target_semaphore(%arg11 : memref<!tpu.dma_semaphore, #tpu.memory_space<semaphore_mem>>)
    %add3A_42 = arith.constant 0 : i32
    %add3A_43 = arith.addi %mul3A_2, %add3A_42 : i32
    %dma_wait3A = arith.constant 0 : i32
    %dma_wait3A_44 = arith.constant 0 : i32
    %dma_wait3A_45 = tpu.memref_slice %arg5[%dma_wait3A, %dma_wait3A_44] : memref<2x16384xf32, #tpu.memory_space<vmem>> -> memref<1x16384xf32, #tpu.memory_space<vmem>>
    %dma_wait3A_46 = tpu.memref_squeeze %dma_wait3A_45 : memref<1x16384xf32, #tpu.memory_space<vmem>> -> memref<16384xf32, #tpu.memory_space<vmem>>
    %dma_wait3A_47 = tpu.memref_slice %arg2[%add3A_43] : memref<16777216xf32, #tpu.memory_space<hbm>> -> memref<16384xf32, #tpu.memory_space<hbm>>
    %dma_wait3A_48 = arith.constant 0 : i32
    %dma_wait3A_49 = tpu.memref_slice %arg5[%dma_wait3A, %dma_wait3A_48] : memref<2x16384xf32, #tpu.memory_space<vmem>> -> memref<1x16384xf32, #tpu.memory_space<vmem>>
    %dma_wait3A_50 = tpu.memref_squeeze %dma_wait3A_49 : memref<1x16384xf32, #tpu.memory_space<vmem>> -> memref<16384xf32, #tpu.memory_space<vmem>>
    %dma_wait3A_51 = tpu.memref_slice %arg2[%add3A_43] : memref<16777216xf32, #tpu.memory_space<hbm>> -> memref<16384xf32, #tpu.memory_space<hbm>>
    tpu.wait_dma2 semaphore(%arg8 : memref<!tpu.dma_semaphore, #tpu.memory_space<semaphore_mem>>) src(%dma_wait3A_51 : memref<16384xf32, #tpu.memory_space<hbm>>) dst(%dma_wait3A_50 : memref<16384xf32, #tpu.memory_space<vmem>>)
    %dma_wait3A_52 = arith.constant 0 : i32
    %dma_wait3A_53 = arith.constant 0 : i32
    %dma_wait3A_54 = tpu.memref_slice %arg6[%dma_wait3A_52, %dma_wait3A_53] : memref<2x16384xf32, #tpu.memory_space<vmem>> -> memref<1x16384xf32, #tpu.memory_space<vmem>>
    %dma_wait3A_55 = tpu.memref_squeeze %dma_wait3A_54 : memref<1x16384xf32, #tpu.memory_space<vmem>> -> memref<16384xf32, #tpu.memory_space<vmem>>
    %dma_wait3A_56 = tpu.memref_slice %arg3[%add3A_43] : memref<16777216xf32, #tpu.memory_space<hbm>> -> memref<16384xf32, #tpu.memory_space<hbm>>
    %dma_wait3A_57 = arith.constant 0 : i32
    %dma_wait3A_58 = tpu.memref_slice %arg6[%dma_wait3A_52, %dma_wait3A_57] : memref<2x16384xf32, #tpu.memory_space<vmem>> -> memref<1x16384xf32, #tpu.memory_space<vmem>>
    %dma_wait3A_59 = tpu.memref_squeeze %dma_wait3A_58 : memref<1x16384xf32, #tpu.memory_space<vmem>> -> memref<16384xf32, #tpu.memory_space<vmem>>
    %dma_wait3A_60 = tpu.memref_slice %arg3[%add3A_43] : memref<16777216xf32, #tpu.memory_space<hbm>> -> memref<16384xf32, #tpu.memory_space<hbm>>
    tpu.wait_dma2 semaphore(%arg10 : memref<!tpu.dma_semaphore, #tpu.memory_space<semaphore_mem>>) src(%dma_wait3A_60 : memref<16384xf32, #tpu.memory_space<hbm>>) dst(%dma_wait3A_59 : memref<16384xf32, #tpu.memory_space<vmem>>)
    %parallel_loop3A = arith.constant 0 : i32
    %parallel_loop3A_61 = arith.constant 16384 : i32
    %parallel_loop3A_62 = arith.constant 16 : i32
    scf.for %parallel_loop3A_265 = %parallel_loop3A to %parallel_loop3A_61 step %parallel_loop3A_62  : i32 {
      %parallel_loop3A_266 = arith.constant 0 : i32
      %parallel_loop3A_267 = arith.index_cast %parallel_loop3A_266 : i32 to index
      %parallel_loop3A_268 = arith.index_cast %parallel_loop3A_265 : i32 to index
      %parallel_loop3A_269 = tpu.vector_load %arg5[%parallel_loop3A_267, %parallel_loop3A_268] {strides = array<i32>} : memref<2x16384xf32, #tpu.memory_space<vmem>>, vector<1x16xf32>,
      %parallel_loop3A_270 = vector.shape_cast %parallel_loop3A_269 : vector<1x16xf32> to vector<16xf32>
      %parallel_loop3A_271 = arith.constant 0 : i32
      %parallel_loop3A_272 = arith.index_cast %parallel_loop3A_271 : i32 to index
      %parallel_loop3A_273 = arith.index_cast %parallel_loop3A_265 : i32 to index
      %parallel_loop3A_274 = tpu.vector_load %arg6[%parallel_loop3A_272, %parallel_loop3A_273] {strides = array<i32>} : memref<2x16384xf32, #tpu.memory_space<vmem>>, vector<1x16xf32>,
      %parallel_loop3A_275 = vector.shape_cast %parallel_loop3A_274 : vector<1x16xf32> to vector<16xf32>
      %parallel_loop3A_276 = arith.addf %parallel_loop3A_270, %parallel_loop3A_275 : vector<16xf32>
      %parallel_loop3A_277 = arith.constant 0 : i32
      %parallel_loop3A_278 = arith.index_cast %parallel_loop3A_277 : i32 to index
      %parallel_loop3A_279 = arith.index_cast %parallel_loop3A_265 : i32 to index
      %parallel_loop3A_280 = tpu.vector_load %arg7[%parallel_loop3A_278, %parallel_loop3A_279] {strides = array<i32>} : memref<2x16384xf32, #tpu.memory_space<vmem>>, vector<1x16xf32>,
      %parallel_loop3A_281 = vector.shape_cast %parallel_loop3A_280 : vector<1x16xf32> to vector<16xf32>
      %parallel_loop3A_282 = vector.shape_cast %parallel_loop3A_276 : vector<16xf32> to vector<1x16xf32>
      tpu.vector_store %arg7[%parallel_loop3A_278, %parallel_loop3A_279], %parallel_loop3A_282 {strides = array<i32>} : memref<2x16384xf32, #tpu.memory_space<vmem>>, vector<1x16xf32>,
    } {sc.loop_unroll_factor = 8 : i64, sc.parallel_access}
    %add3A_63 = arith.constant 0 : i32
    %add3A_64 = arith.addi %mul3A_2, %add3A_63 : i32
    %dma_start3A_65 = arith.constant 0 : i32
    %dma_start3A_66 = arith.constant 0 : i32
    %dma_start3A_67 = tpu.memref_slice %arg7[%dma_start3A_65, %dma_start3A_66] : memref<2x16384xf32, #tpu.memory_space<vmem>> -> memref<1x16384xf32, #tpu.memory_space<vmem>>
    %dma_start3A_68 = tpu.memref_squeeze %dma_start3A_67 : memref<1x16384xf32, #tpu.memory_space<vmem>> -> memref<16384xf32, #tpu.memory_space<vmem>>
    %dma_start3A_69 = tpu.memref_slice %arg4[%add3A_64] : memref<16777216xf32, #tpu.memory_space<hbm>> -> memref<16384xf32, #tpu.memory_space<hbm>>
    %dma_start3A_70 = tpu.memref_slice %arg4[%add3A_64] : memref<16777216xf32, #tpu.memory_space<hbm>> -> memref<16384xf32, #tpu.memory_space<hbm>>
    %dma_start3A_71 = arith.constant 0 : i32
    %dma_start3A_72 = tpu.memref_slice %arg7[%dma_start3A_65, %dma_start3A_71] : memref<2x16384xf32, #tpu.memory_space<vmem>> -> memref<1x16384xf32, #tpu.memory_space<vmem>>
    %dma_start3A_73 = tpu.memref_squeeze %dma_start3A_72 : memref<1x16384xf32, #tpu.memory_space<vmem>> -> memref<16384xf32, #tpu.memory_space<vmem>>
    tpu.enqueue_dma source(%dma_start3A_73 : memref<16384xf32, #tpu.memory_space<vmem>>) target(%dma_start3A_70 : memref<16384xf32, #tpu.memory_space<hbm>>) target_semaphore(%arg12 : memref<!tpu.dma_semaphore, #tpu.memory_space<semaphore_mem>>)
    %add3A_74 = arith.constant 32768 : i32
    %add3A_75 = arith.addi %mul3A_2, %add3A_74 : i32
    %dma_start3A_76 = arith.constant 0 : i32
    %dma_start3A_77 = arith.constant 0 : i32
    %dma_start3A_78 = tpu.memref_slice %arg5[%dma_start3A_76, %dma_start3A_77] : memref<2x16384xf32, #tpu.memory_space<vmem>> -> memref<1x16384xf32, #tpu.memory_space<vmem>>
    %dma_start3A_79 = tpu.memref_squeeze %dma_start3A_78 : memref<1x16384xf32, #tpu.memory_space<vmem>> -> memref<16384xf32, #tpu.memory_space<vmem>>
    %dma_start3A_80 = tpu.memref_slice %arg2[%add3A_75] : memref<16777216xf32, #tpu.memory_space<hbm>> -> memref<16384xf32, #tpu.memory_space<hbm>>
    %dma_start3A_81 = arith.constant 0 : i32
    %dma_start3A_82 = tpu.memref_slice %arg5[%dma_start3A_76, %dma_start3A_81] : memref<2x16384xf32, #tpu.memory_space<vmem>> -> memref<1x16384xf32, #tpu.memory_space<vmem>>
    %dma_start3A_83 = tpu.memref_squeeze %dma_start3A_82 : memref<1x16384xf32, #tpu.memory_space<vmem>> -> memref<16384xf32, #tpu.memory_space<vmem>>
    %dma_start3A_84 = tpu.memref_slice %arg2[%add3A_75] : memref<16777216xf32, #tpu.memory_space<hbm>> -> memref<16384xf32, #tpu.memory_space<hbm>>
    tpu.enqueue_dma source(%dma_start3A_84 : memref<16384xf32, #tpu.memory_space<hbm>>) target(%dma_start3A_83 : memref<16384xf32, #tpu.memory_space<vmem>>) target_semaphore(%arg8 : memref<!tpu.dma_semaphore, #tpu.memory_space<semaphore_mem>>)
    %dma_start3A_85 = arith.constant 0 : i32
    %dma_start3A_86 = arith.constant 0 : i32
    %dma_start3A_87 = tpu.memref_slice %arg6[%dma_start3A_85, %dma_start3A_86] : memref<2x16384xf32, #tpu.memory_space<vmem>> -> memref<1x16384xf32, #tpu.memory_space<vmem>>
    %dma_start3A_88 = tpu.memref_squeeze %dma_start3A_87 : memref<1x16384xf32, #tpu.memory_space<vmem>> -> memref<16384xf32, #tpu.memory_space<vmem>>
    %dma_start3A_89 = tpu.memref_slice %arg3[%add3A_75] : memref<16777216xf32, #tpu.memory_space<hbm>> -> memref<16384xf32, #tpu.memory_space<hbm>>
    %dma_start3A_90 = arith.constant 0 : i32
    %dma_start3A_91 = tpu.memref_slice %arg6[%dma_start3A_85, %dma_start3A_90] : memref<2x16384xf32, #tpu.memory_space<vmem>> -> memref<1x16384xf32, #tpu.memory_space<vmem>>
    %dma_start3A_92 = tpu.memref_squeeze %dma_start3A_91 : memref<1x16384xf32, #tpu.memory_space<vmem>> -> memref<16384xf32, #tpu.memory_space<vmem>>
    %dma_start3A_93 = tpu.memref_slice %arg3[%add3A_75] : memref<16777216xf32, #tpu.memory_space<hbm>> -> memref<16384xf32, #tpu.memory_space<hbm>>
    tpu.enqueue_dma source(%dma_start3A_93 : memref<16384xf32, #tpu.memory_space<hbm>>) target(%dma_start3A_92 : memref<16384xf32, #tpu.memory_space<vmem>>) target_semaphore(%arg10 : memref<!tpu.dma_semaphore, #tpu.memory_space<semaphore_mem>>)
    %add3A_94 = arith.constant 16384 : i32
    %add3A_95 = arith.addi %mul3A_2, %add3A_94 : i32
    %dma_wait3A_96 = arith.constant 1 : i32
    %dma_wait3A_97 = arith.constant 0 : i32
    %dma_wait3A_98 = tpu.memref_slice %arg5[%dma_wait3A_96, %dma_wait3A_97] : memref<2x16384xf32, #tpu.memory_space<vmem>> -> memref<1x16384xf32, #tpu.memory_space<vmem>>
    %dma_wait3A_99 = tpu.memref_squeeze %dma_wait3A_98 : memref<1x16384xf32, #tpu.memory_space<vmem>> -> memref<16384xf32, #tpu.memory_space<vmem>>
    %dma_wait3A_100 = tpu.memref_slice %arg2[%add3A_95] : memref<16777216xf32, #tpu.memory_space<hbm>> -> memref<16384xf32, #tpu.memory_space<hbm>>
    %dma_wait3A_101 = arith.constant 0 : i32
    %dma_wait3A_102 = tpu.memref_slice %arg5[%dma_wait3A_96, %dma_wait3A_101] : memref<2x16384xf32, #tpu.memory_space<vmem>> -> memref<1x16384xf32, #tpu.memory_space<vmem>>
    %dma_wait3A_103 = tpu.memref_squeeze %dma_wait3A_102 : memref<1x16384xf32, #tpu.memory_space<vmem>> -> memref<16384xf32, #tpu.memory_space<vmem>>
    %dma_wait3A_104 = tpu.memref_slice %arg2[%add3A_95] : memref<16777216xf32, #tpu.memory_space<hbm>> -> memref<16384xf32, #tpu.memory_space<hbm>>
    tpu.wait_dma2 semaphore(%arg9 : memref<!tpu.dma_semaphore, #tpu.memory_space<semaphore_mem>>) src(%dma_wait3A_104 : memref<16384xf32, #tpu.memory_space<hbm>>) dst(%dma_wait3A_103 : memref<16384xf32, #tpu.memory_space<vmem>>)
    %dma_wait3A_105 = arith.constant 1 : i32
    %dma_wait3A_106 = arith.constant 0 : i32
    %dma_wait3A_107 = tpu.memref_slice %arg6[%dma_wait3A_105, %dma_wait3A_106] : memref<2x16384xf32, #tpu.memory_space<vmem>> -> memref<1x16384xf32, #tpu.memory_space<vmem>>
    %dma_wait3A_108 = tpu.memref_squeeze %dma_wait3A_107 : memref<1x16384xf32, #tpu.memory_space<vmem>> -> memref<16384xf32, #tpu.memory_space<vmem>>
    %dma_wait3A_109 = tpu.memref_slice %arg3[%add3A_95] : memref<16777216xf32, #tpu.memory_space<hbm>> -> memref<16384xf32, #tpu.memory_space<hbm>>
    %dma_wait3A_110 = arith.constant 0 : i32
    %dma_wait3A_111 = tpu.memref_slice %arg6[%dma_wait3A_105, %dma_wait3A_110] : memref<2x16384xf32, #tpu.memory_space<vmem>> -> memref<1x16384xf32, #tpu.memory_space<vmem>>
    %dma_wait3A_112 = tpu.memref_squeeze %dma_wait3A_111 : memref<1x16384xf32, #tpu.memory_space<vmem>> -> memref<16384xf32, #tpu.memory_space<vmem>>
    %dma_wait3A_113 = tpu.memref_slice %arg3[%add3A_95] : memref<16777216xf32, #tpu.memory_space<hbm>> -> memref<16384xf32, #tpu.memory_space<hbm>>
    tpu.wait_dma2 semaphore(%arg11 : memref<!tpu.dma_semaphore, #tpu.memory_space<semaphore_mem>>) src(%dma_wait3A_113 : memref<16384xf32, #tpu.memory_space<hbm>>) dst(%dma_wait3A_112 : memref<16384xf32, #tpu.memory_space<vmem>>)
    %parallel_loop3A_114 = arith.constant 0 : i32
    %parallel_loop3A_115 = arith.constant 16384 : i32
    %parallel_loop3A_116 = arith.constant 16 : i32
    scf.for %parallel_loop3A_265 = %parallel_loop3A_114 to %parallel_loop3A_115 step %parallel_loop3A_116  : i32 {
      %parallel_loop3A_266 = arith.constant 1 : i32
      %parallel_loop3A_267 = arith.index_cast %parallel_loop3A_266 : i32 to index
      %parallel_loop3A_268 = arith.index_cast %parallel_loop3A_265 : i32 to index
      %parallel_loop3A_269 = tpu.vector_load %arg5[%parallel_loop3A_267, %parallel_loop3A_268] {strides = array<i32>} : memref<2x16384xf32, #tpu.memory_space<vmem>>, vector<1x16xf32>,
      %parallel_loop3A_270 = vector.shape_cast %parallel_loop3A_269 : vector<1x16xf32> to vector<16xf32>
      %parallel_loop3A_271 = arith.constant 1 : i32
      %parallel_loop3A_272 = arith.index_cast %parallel_loop3A_271 : i32 to index
      %parallel_loop3A_273 = arith.index_cast %parallel_loop3A_265 : i32 to index
      %parallel_loop3A_274 = tpu.vector_load %arg6[%parallel_loop3A_272, %parallel_loop3A_273] {strides = array<i32>} : memref<2x16384xf32, #tpu.memory_space<vmem>>, vector<1x16xf32>,
      %parallel_loop3A_275 = vector.shape_cast %parallel_loop3A_274 : vector<1x16xf32> to vector<16xf32>
      %parallel_loop3A_276 = arith.addf %parallel_loop3A_270, %parallel_loop3A_275 : vector<16xf32>
      %parallel_loop3A_277 = arith.constant 1 : i32
      %parallel_loop3A_278 = arith.index_cast %parallel_loop3A_277 : i32 to index
      %parallel_loop3A_279 = arith.index_cast %parallel_loop3A_265 : i32 to index
      %parallel_loop3A_280 = tpu.vector_load %arg7[%parallel_loop3A_278, %parallel_loop3A_279] {strides = array<i32>} : memref<2x16384xf32, #tpu.memory_space<vmem>>, vector<1x16xf32>,
      %parallel_loop3A_281 = vector.shape_cast %parallel_loop3A_280 : vector<1x16xf32> to vector<16xf32>
      %parallel_loop3A_282 = vector.shape_cast %parallel_loop3A_276 : vector<16xf32> to vector<1x16xf32>
      tpu.vector_store %arg7[%parallel_loop3A_278, %parallel_loop3A_279], %parallel_loop3A_282 {strides = array<i32>} : memref<2x16384xf32, #tpu.memory_space<vmem>>, vector<1x16xf32>,
    } {sc.loop_unroll_factor = 8 : i64, sc.parallel_access}
    %add3A_117 = arith.constant 16384 : i32
    %add3A_118 = arith.addi %mul3A_2, %add3A_117 : i32
    %dma_start3A_119 = arith.constant 1 : i32
    %dma_start3A_120 = arith.constant 0 : i32
    %dma_start3A_121 = tpu.memref_slice %arg7[%dma_start3A_119, %dma_start3A_120] : memref<2x16384xf32, #tpu.memory_space<vmem>> -> memref<1x16384xf32, #tpu.memory_space<vmem>>
    %dma_start3A_122 = tpu.memref_squeeze %dma_start3A_121 : memref<1x16384xf32, #tpu.memory_space<vmem>> -> memref<16384xf32, #tpu.memory_space<vmem>>
    %dma_start3A_123 = tpu.memref_slice %arg4[%add3A_118] : memref<16777216xf32, #tpu.memory_space<hbm>> -> memref<16384xf32, #tpu.memory_space<hbm>>
    %dma_start3A_124 = tpu.memref_slice %arg4[%add3A_118] : memref<16777216xf32, #tpu.memory_space<hbm>> -> memref<16384xf32, #tpu.memory_space<hbm>>
    %dma_start3A_125 = arith.constant 0 : i32
    %dma_start3A_126 = tpu.memref_slice %arg7[%dma_start3A_119, %dma_start3A_125] : memref<2x16384xf32, #tpu.memory_space<vmem>> -> memref<1x16384xf32, #tpu.memory_space<vmem>>
    %dma_start3A_127 = tpu.memref_squeeze %dma_start3A_126 : memref<1x16384xf32, #tpu.memory_space<vmem>> -> memref<16384xf32, #tpu.memory_space<vmem>>
    tpu.enqueue_dma source(%dma_start3A_127 : memref<16384xf32, #tpu.memory_space<vmem>>) target(%dma_start3A_124 : memref<16384xf32, #tpu.memory_space<hbm>>) target_semaphore(%arg13 : memref<!tpu.dma_semaphore, #tpu.memory_space<semaphore_mem>>)
    %add3A_128 = arith.constant 49152 : i32
    %add3A_129 = arith.addi %mul3A_2, %add3A_128 : i32
    %dma_start3A_130 = arith.constant 1 : i32
    %dma_start3A_131 = arith.constant 0 : i32
    %dma_start3A_132 = tpu.memref_slice %arg5[%dma_start3A_130, %dma_start3A_131] : memref<2x16384xf32, #tpu.memory_space<vmem>> -> memref<1x16384xf32, #tpu.memory_space<vmem>>
    %dma_start3A_133 = tpu.memref_squeeze %dma_start3A_132 : memref<1x16384xf32, #tpu.memory_space<vmem>> -> memref<16384xf32, #tpu.memory_space<vmem>>
    %dma_start3A_134 = tpu.memref_slice %arg2[%add3A_129] : memref<16777216xf32, #tpu.memory_space<hbm>> -> memref<16384xf32, #tpu.memory_space<hbm>>
    %dma_start3A_135 = arith.constant 0 : i32
    %dma_start3A_136 = tpu.memref_slice %arg5[%dma_start3A_130, %dma_start3A_135] : memref<2x16384xf32, #tpu.memory_space<vmem>> -> memref<1x16384xf32, #tpu.memory_space<vmem>>
    %dma_start3A_137 = tpu.memref_squeeze %dma_start3A_136 : memref<1x16384xf32, #tpu.memory_space<vmem>> -> memref<16384xf32, #tpu.memory_space<vmem>>
    %dma_start3A_138 = tpu.memref_slice %arg2[%add3A_129] : memref<16777216xf32, #tpu.memory_space<hbm>> -> memref<16384xf32, #tpu.memory_space<hbm>>
    tpu.enqueue_dma source(%dma_start3A_138 : memref<16384xf32, #tpu.memory_space<hbm>>) target(%dma_start3A_137 : memref<16384xf32, #tpu.memory_space<vmem>>) target_semaphore(%arg9 : memref<!tpu.dma_semaphore, #tpu.memory_space<semaphore_mem>>)
    %dma_start3A_139 = arith.constant 1 : i32
    %dma_start3A_140 = arith.constant 0 : i32
    %dma_start3A_141 = tpu.memref_slice %arg6[%dma_start3A_139, %dma_start3A_140] : memref<2x16384xf32, #tpu.memory_space<vmem>> -> memref<1x16384xf32, #tpu.memory_space<vmem>>
    %dma_start3A_142 = tpu.memref_squeeze %dma_start3A_141 : memref<1x16384xf32, #tpu.memory_space<vmem>> -> memref<16384xf32, #tpu.memory_space<vmem>>
    %dma_start3A_143 = tpu.memref_slice %arg3[%add3A_129] : memref<16777216xf32, #tpu.memory_space<hbm>> -> memref<16384xf32, #tpu.memory_space<hbm>>
    %dma_start3A_144 = arith.constant 0 : i32
    %dma_start3A_145 = tpu.memref_slice %arg6[%dma_start3A_139, %dma_start3A_144] : memref<2x16384xf32, #tpu.memory_space<vmem>> -> memref<1x16384xf32, #tpu.memory_space<vmem>>
    %dma_start3A_146 = tpu.memref_squeeze %dma_start3A_145 : memref<1x16384xf32, #tpu.memory_space<vmem>> -> memref<16384xf32, #tpu.memory_space<vmem>>
    %dma_start3A_147 = tpu.memref_slice %arg3[%add3A_129] : memref<16777216xf32, #tpu.memory_space<hbm>> -> memref<16384xf32, #tpu.memory_space<hbm>>
    tpu.enqueue_dma source(%dma_start3A_147 : memref<16384xf32, #tpu.memory_space<hbm>>) target(%dma_start3A_146 : memref<16384xf32, #tpu.memory_space<vmem>>) target_semaphore(%arg11 : memref<!tpu.dma_semaphore, #tpu.memory_space<semaphore_mem>>)
    %scan3A = arith.constant 0 : i32
    %scan3A_148 = arith.constant 1 : i32
    %scan3A_149 = arith.constant 6 : i32
    %scan3A_150 = arith.addi %scan3A_148, %scan3A_149 : i32
    %scan3A_151 = arith.constant 1 : i32
    scf.for %scan3A_265 = %scan3A_148 to %scan3A_150 step %scan3A_151  : i32 {
      %mul3A_266 = arith.constant 2 : i32
      %mul3A_267 = arith.muli %mul3A_266, %scan3A_265 : i32
      %add3A_268 = arith.constant 0 : i32
      %add3A_269 = arith.addi %mul3A_267, %add3A_268 : i32
      %mul3A_270 = arith.constant 16384 : i32
      %mul3A_271 = arith.muli %add3A_269, %mul3A_270 : i32
      %add3A_272 = arith.addi %mul3A_2, %mul3A_271 : i32
      %dma_wait3A_273 = arith.constant 0 : i32
      %dma_wait3A_274 = arith.constant 0 : i32
      %dma_wait3A_275 = tpu.memref_slice %arg5[%dma_wait3A_273, %dma_wait3A_274] : memref<2x16384xf32, #tpu.memory_space<vmem>> -> memref<1x16384xf32, #tpu.memory_space<vmem>>
      %dma_wait3A_276 = tpu.memref_squeeze %dma_wait3A_275 : memref<1x16384xf32, #tpu.memory_space<vmem>> -> memref<16384xf32, #tpu.memory_space<vmem>>
      %dma_wait3A_277 = tpu.memref_slice %arg2[%add3A_272] : memref<16777216xf32, #tpu.memory_space<hbm>> -> memref<16384xf32, #tpu.memory_space<hbm>>
      %dma_wait3A_278 = arith.constant 0 : i32
      %dma_wait3A_279 = tpu.memref_slice %arg5[%dma_wait3A_273, %dma_wait3A_278] : memref<2x16384xf32, #tpu.memory_space<vmem>> -> memref<1x16384xf32, #tpu.memory_space<vmem>>
      %dma_wait3A_280 = tpu.memref_squeeze %dma_wait3A_279 : memref<1x16384xf32, #tpu.memory_space<vmem>> -> memref<16384xf32, #tpu.memory_space<vmem>>
      %dma_wait3A_281 = tpu.memref_slice %arg2[%add3A_272] : memref<16777216xf32, #tpu.memory_space<hbm>> -> memref<16384xf32, #tpu.memory_space<hbm>>
      tpu.wait_dma2 semaphore(%arg8 : memref<!tpu.dma_semaphore, #tpu.memory_space<semaphore_mem>>) src(%dma_wait3A_281 : memref<16384xf32, #tpu.memory_space<hbm>>) dst(%dma_wait3A_280 : memref<16384xf32, #tpu.memory_space<vmem>>)
      %dma_wait3A_282 = arith.constant 0 : i32
      %dma_wait3A_283 = arith.constant 0 : i32
      %dma_wait3A_284 = tpu.memref_slice %arg6[%dma_wait3A_282, %dma_wait3A_283] : memref<2x16384xf32, #tpu.memory_space<vmem>> -> memref<1x16384xf32, #tpu.memory_space<vmem>>
      %dma_wait3A_285 = tpu.memref_squeeze %dma_wait3A_284 : memref<1x16384xf32, #tpu.memory_space<vmem>> -> memref<16384xf32, #tpu.memory_space<vmem>>
      %dma_wait3A_286 = tpu.memref_slice %arg3[%add3A_272] : memref<16777216xf32, #tpu.memory_space<hbm>> -> memref<16384xf32, #tpu.memory_space<hbm>>
      %dma_wait3A_287 = arith.constant 0 : i32
      %dma_wait3A_288 = tpu.memref_slice %arg6[%dma_wait3A_282, %dma_wait3A_287] : memref<2x16384xf32, #tpu.memory_space<vmem>> -> memref<1x16384xf32, #tpu.memory_space<vmem>>
      %dma_wait3A_289 = tpu.memref_squeeze %dma_wait3A_288 : memref<1x16384xf32, #tpu.memory_space<vmem>> -> memref<16384xf32, #tpu.memory_space<vmem>>
      %dma_wait3A_290 = tpu.memref_slice %arg3[%add3A_272] : memref<16777216xf32, #tpu.memory_space<hbm>> -> memref<16384xf32, #tpu.memory_space<hbm>>
      tpu.wait_dma2 semaphore(%arg10 : memref<!tpu.dma_semaphore, #tpu.memory_space<semaphore_mem>>) src(%dma_wait3A_290 : memref<16384xf32, #tpu.memory_space<hbm>>) dst(%dma_wait3A_289 : memref<16384xf32, #tpu.memory_space<vmem>>)
      %sub3A = arith.constant 2 : i32
      %sub3A_291 = arith.subi %add3A_269, %sub3A : i32
      %mul3A_292 = arith.constant 16384 : i32
      %mul3A_293 = arith.muli %sub3A_291, %mul3A_292 : i32
      %add3A_294 = arith.addi %mul3A_2, %mul3A_293 : i32
      %dma_wait3A_295 = arith.constant 0 : i32
      %dma_wait3A_296 = arith.constant 0 : i32
      %dma_wait3A_297 = tpu.memref_slice %arg7[%dma_wait3A_295, %dma_wait3A_296] : memref<2x16384xf32, #tpu.memory_space<vmem>> -> memref<1x16384xf32, #tpu.memory_space<vmem>>
      %dma_wait3A_298 = tpu.memref_squeeze %dma_wait3A_297 : memref<1x16384xf32, #tpu.memory_space<vmem>> -> memref<16384xf32, #tpu.memory_space<vmem>>
      %dma_wait3A_299 = tpu.memref_slice %arg4[%add3A_294] : memref<16777216xf32, #tpu.memory_space<hbm>> -> memref<16384xf32, #tpu.memory_space<hbm>>
      %dma_wait3A_300 = tpu.memref_slice %arg4[%add3A_294] : memref<16777216xf32, #tpu.memory_space<hbm>> -> memref<16384xf32, #tpu.memory_space<hbm>>
      %dma_wait3A_301 = arith.constant 0 : i32
      %dma_wait3A_302 = tpu.memref_slice %arg7[%dma_wait3A_295, %dma_wait3A_301] : memref<2x16384xf32, #tpu.memory_space<vmem>> -> memref<1x16384xf32, #tpu.memory_space<vmem>>
      %dma_wait3A_303 = tpu.memref_squeeze %dma_wait3A_302 : memref<1x16384xf32, #tpu.memory_space<vmem>> -> memref<16384xf32, #tpu.memory_space<vmem>>
      tpu.wait_dma2 semaphore(%arg12 : memref<!tpu.dma_semaphore, #tpu.memory_space<semaphore_mem>>) src(%dma_wait3A_303 : memref<16384xf32, #tpu.memory_space<vmem>>) dst(%dma_wait3A_300 : memref<16384xf32, #tpu.memory_space<hbm>>)
      %parallel_loop3A_304 = arith.constant 0 : i32
      %parallel_loop3A_305 = arith.constant 16384 : i32
      %parallel_loop3A_306 = arith.constant 16 : i32
      scf.for %parallel_loop3A_417 = %parallel_loop3A_304 to %parallel_loop3A_305 step %parallel_loop3A_306  : i32 {
        %parallel_loop3A_418 = arith.constant 0 : i32
        %parallel_loop3A_419 = arith.index_cast %parallel_loop3A_418 : i32 to index
        %parallel_loop3A_420 = arith.index_cast %parallel_loop3A_417 : i32 to index
        %parallel_loop3A_421 = tpu.vector_load %arg5[%parallel_loop3A_419, %parallel_loop3A_420] {strides = array<i32>} : memref<2x16384xf32, #tpu.memory_space<vmem>>, vector<1x16xf32>,
        %parallel_loop3A_422 = vector.shape_cast %parallel_loop3A_421 : vector<1x16xf32> to vector<16xf32>
        %parallel_loop3A_423 = arith.constant 0 : i32
        %parallel_loop3A_424 = arith.index_cast %parallel_loop3A_423 : i32 to index
        %parallel_loop3A_425 = arith.index_cast %parallel_loop3A_417 : i32 to index
        %parallel_loop3A_426 = tpu.vector_load %arg6[%parallel_loop3A_424, %parallel_loop3A_425] {strides = array<i32>} : memref<2x16384xf32, #tpu.memory_space<vmem>>, vector<1x16xf32>,
        %parallel_loop3A_427 = vector.shape_cast %parallel_loop3A_426 : vector<1x16xf32> to vector<16xf32>
        %parallel_loop3A_428 = arith.addf %parallel_loop3A_422, %parallel_loop3A_427 : vector<16xf32>
        %parallel_loop3A_429 = arith.constant 0 : i32
        %parallel_loop3A_430 = arith.index_cast %parallel_loop3A_429 : i32 to index
        %parallel_loop3A_431 = arith.index_cast %parallel_loop3A_417 : i32 to index
        %parallel_loop3A_432 = tpu.vector_load %arg7[%parallel_loop3A_430, %parallel_loop3A_431] {strides = array<i32>} : memref<2x16384xf32, #tpu.memory_space<vmem>>, vector<1x16xf32>,
        %parallel_loop3A_433 = vector.shape_cast %parallel_loop3A_432 : vector<1x16xf32> to vector<16xf32>
        %parallel_loop3A_434 = vector.shape_cast %parallel_loop3A_428 : vector<16xf32> to vector<1x16xf32>
        tpu.vector_store %arg7[%parallel_loop3A_430, %parallel_loop3A_431], %parallel_loop3A_434 {strides = array<i32>} : memref<2x16384xf32, #tpu.memory_space<vmem>>, vector<1x16xf32>,
      } {sc.loop_unroll_factor = 8 : i64, sc.parallel_access}
      %mul3A_307 = arith.constant 16384 : i32
      %mul3A_308 = arith.muli %add3A_269, %mul3A_307 : i32
      %add3A_309 = arith.addi %mul3A_2, %mul3A_308 : i32
      %dma_start3A_310 = arith.constant 0 : i32
      %dma_start3A_311 = arith.constant 0 : i32
      %dma_start3A_312 = tpu.memref_slice %arg7[%dma_start3A_310, %dma_start3A_311] : memref<2x16384xf32, #tpu.memory_space<vmem>> -> memref<1x16384xf32, #tpu.memory_space<vmem>>
      %dma_start3A_313 = tpu.memref_squeeze %dma_start3A_312 : memref<1x16384xf32, #tpu.memory_space<vmem>> -> memref<16384xf32, #tpu.memory_space<vmem>>
      %dma_start3A_314 = tpu.memref_slice %arg4[%add3A_309] : memref<16777216xf32, #tpu.memory_space<hbm>> -> memref<16384xf32, #tpu.memory_space<hbm>>
      %dma_start3A_315 = tpu.memref_slice %arg4[%add3A_309] : memref<16777216xf32, #tpu.memory_space<hbm>> -> memref<16384xf32, #tpu.memory_space<hbm>>
      %dma_start3A_316 = arith.constant 0 : i32
      %dma_start3A_317 = tpu.memref_slice %arg7[%dma_start3A_310, %dma_start3A_316] : memref<2x16384xf32, #tpu.memory_space<vmem>> -> memref<1x16384xf32, #tpu.memory_space<vmem>>
      %dma_start3A_318 = tpu.memref_squeeze %dma_start3A_317 : memref<1x16384xf32, #tpu.memory_space<vmem>> -> memref<16384xf32, #tpu.memory_space<vmem>>
      tpu.enqueue_dma source(%dma_start3A_318 : memref<16384xf32, #tpu.memory_space<vmem>>) target(%dma_start3A_315 : memref<16384xf32, #tpu.memory_space<hbm>>) target_semaphore(%arg12 : memref<!tpu.dma_semaphore, #tpu.memory_space<semaphore_mem>>)
      %add3A_319 = arith.constant 2 : i32
      %add3A_320 = arith.addi %add3A_269, %add3A_319 : i32
      %mul3A_321 = arith.constant 16384 : i32
      %mul3A_322 = arith.muli %add3A_320, %mul3A_321 : i32
      %add3A_323 = arith.addi %mul3A_2, %mul3A_322 : i32
      %dma_start3A_324 = arith.constant 0 : i32
      %dma_start3A_325 = arith.constant 0 : i32
      %dma_start3A_326 = tpu.memref_slice %arg5[%dma_start3A_324, %dma_start3A_325] : memref<2x16384xf32, #tpu.memory_space<vmem>> -> memref<1x16384xf32, #tpu.memory_space<vmem>>
      %dma_start3A_327 = tpu.memref_squeeze %dma_start3A_326 : memref<1x16384xf32, #tpu.memory_space<vmem>> -> memref<16384xf32, #tpu.memory_space<vmem>>
      %dma_start3A_328 = tpu.memref_slice %arg2[%add3A_323] : memref<16777216xf32, #tpu.memory_space<hbm>> -> memref<16384xf32, #tpu.memory_space<hbm>>
      %dma_start3A_329 = arith.constant 0 : i32
      %dma_start3A_330 = tpu.memref_slice %arg5[%dma_start3A_324, %dma_start3A_329] : memref<2x16384xf32, #tpu.memory_space<vmem>> -> memref<1x16384xf32, #tpu.memory_space<vmem>>
      %dma_start3A_331 = tpu.memref_squeeze %dma_start3A_330 : memref<1x16384xf32, #tpu.memory_space<vmem>> -> memref<16384xf32, #tpu.memory_space<vmem>>
      %dma_start3A_332 = tpu.memref_slice %arg2[%add3A_323] : memref<16777216xf32, #tpu.memory_space<hbm>> -> memref<16384xf32, #tpu.memory_space<hbm>>
      tpu.enqueue_dma source(%dma_start3A_332 : memref<16384xf32, #tpu.memory_space<hbm>>) target(%dma_start3A_331 : memref<16384xf32, #tpu.memory_space<vmem>>) target_semaphore(%arg8 : memref<!tpu.dma_semaphore, #tpu.memory_space<semaphore_mem>>)
      %dma_start3A_333 = arith.constant 0 : i32
      %dma_start3A_334 = arith.constant 0 : i32
      %dma_start3A_335 = tpu.memref_slice %arg6[%dma_start3A_333, %dma_start3A_334] : memref<2x16384xf32, #tpu.memory_space<vmem>> -> memref<1x16384xf32, #tpu.memory_space<vmem>>
      %dma_start3A_336 = tpu.memref_squeeze %dma_start3A_335 : memref<1x16384xf32, #tpu.memory_space<vmem>> -> memref<16384xf32, #tpu.memory_space<vmem>>
      %dma_start3A_337 = tpu.memref_slice %arg3[%add3A_323] : memref<16777216xf32, #tpu.memory_space<hbm>> -> memref<16384xf32, #tpu.memory_space<hbm>>
      %dma_start3A_338 = arith.constant 0 : i32
      %dma_start3A_339 = tpu.memref_slice %arg6[%dma_start3A_333, %dma_start3A_338] : memref<2x16384xf32, #tpu.memory_space<vmem>> -> memref<1x16384xf32, #tpu.memory_space<vmem>>
      %dma_start3A_340 = tpu.memref_squeeze %dma_start3A_339 : memref<1x16384xf32, #tpu.memory_space<vmem>> -> memref<16384xf32, #tpu.memory_space<vmem>>
      %dma_start3A_341 = tpu.memref_slice %arg3[%add3A_323] : memref<16777216xf32, #tpu.memory_space<hbm>> -> memref<16384xf32, #tpu.memory_space<hbm>>
      tpu.enqueue_dma source(%dma_start3A_341 : memref<16384xf32, #tpu.memory_space<hbm>>) target(%dma_start3A_340 : memref<16384xf32, #tpu.memory_space<vmem>>) target_semaphore(%arg10 : memref<!tpu.dma_semaphore, #tpu.memory_space<semaphore_mem>>)
      %add3A_342 = arith.constant 1 : i32
      %add3A_343 = arith.addi %mul3A_267, %add3A_342 : i32
      %mul3A_344 = arith.constant 16384 : i32
      %mul3A_345 = arith.muli %add3A_343, %mul3A_344 : i32
      %add3A_346 = arith.addi %mul3A_2, %mul3A_345 : i32
      %dma_wait3A_347 = arith.constant 1 : i32
      %dma_wait3A_348 = arith.constant 0 : i32
      %dma_wait3A_349 = tpu.memref_slice %arg5[%dma_wait3A_347, %dma_wait3A_348] : memref<2x16384xf32, #tpu.memory_space<vmem>> -> memref<1x16384xf32, #tpu.memory_space<vmem>>
      %dma_wait3A_350 = tpu.memref_squeeze %dma_wait3A_349 : memref<1x16384xf32, #tpu.memory_space<vmem>> -> memref<16384xf32, #tpu.memory_space<vmem>>
      %dma_wait3A_351 = tpu.memref_slice %arg2[%add3A_346] : memref<16777216xf32, #tpu.memory_space<hbm>> -> memref<16384xf32, #tpu.memory_space<hbm>>
      %dma_wait3A_352 = arith.constant 0 : i32
      %dma_wait3A_353 = tpu.memref_slice %arg5[%dma_wait3A_347, %dma_wait3A_352] : memref<2x16384xf32, #tpu.memory_space<vmem>> -> memref<1x16384xf32, #tpu.memory_space<vmem>>
      %dma_wait3A_354 = tpu.memref_squeeze %dma_wait3A_353 : memref<1x16384xf32, #tpu.memory_space<vmem>> -> memref<16384xf32, #tpu.memory_space<vmem>>
      %dma_wait3A_355 = tpu.memref_slice %arg2[%add3A_346] : memref<16777216xf32, #tpu.memory_space<hbm>> -> memref<16384xf32, #tpu.memory_space<hbm>>
      tpu.wait_dma2 semaphore(%arg9 : memref<!tpu.dma_semaphore, #tpu.memory_space<semaphore_mem>>) src(%dma_wait3A_355 : memref<16384xf32, #tpu.memory_space<hbm>>) dst(%dma_wait3A_354 : memref<16384xf32, #tpu.memory_space<vmem>>)
      %dma_wait3A_356 = arith.constant 1 : i32
      %dma_wait3A_357 = arith.constant 0 : i32
      %dma_wait3A_358 = tpu.memref_slice %arg6[%dma_wait3A_356, %dma_wait3A_357] : memref<2x16384xf32, #tpu.memory_space<vmem>> -> memref<1x16384xf32, #tpu.memory_space<vmem>>
      %dma_wait3A_359 = tpu.memref_squeeze %dma_wait3A_358 : memref<1x16384xf32, #tpu.memory_space<vmem>> -> memref<16384xf32, #tpu.memory_space<vmem>>
      %dma_wait3A_360 = tpu.memref_slice %arg3[%add3A_346] : memref<16777216xf32, #tpu.memory_space<hbm>> -> memref<16384xf32, #tpu.memory_space<hbm>>
      %dma_wait3A_361 = arith.constant 0 : i32
      %dma_wait3A_362 = tpu.memref_slice %arg6[%dma_wait3A_356, %dma_wait3A_361] : memref<2x16384xf32, #tpu.memory_space<vmem>> -> memref<1x16384xf32, #tpu.memory_space<vmem>>
      %dma_wait3A_363 = tpu.memref_squeeze %dma_wait3A_362 : memref<1x16384xf32, #tpu.memory_space<vmem>> -> memref<16384xf32, #tpu.memory_space<vmem>>
      %dma_wait3A_364 = tpu.memref_slice %arg3[%add3A_346] : memref<16777216xf32, #tpu.memory_space<hbm>> -> memref<16384xf32, #tpu.memory_space<hbm>>
      tpu.wait_dma2 semaphore(%arg11 : memref<!tpu.dma_semaphore, #tpu.memory_space<semaphore_mem>>) src(%dma_wait3A_364 : memref<16384xf32, #tpu.memory_space<hbm>>) dst(%dma_wait3A_363 : memref<16384xf32, #tpu.memory_space<vmem>>)
      %sub3A_365 = arith.constant 2 : i32
      %sub3A_366 = arith.subi %add3A_343, %sub3A_365 : i32
      %mul3A_367 = arith.constant 16384 : i32
      %mul3A_368 = arith.muli %sub3A_366, %mul3A_367 : i32
      %add3A_369 = arith.addi %mul3A_2, %mul3A_368 : i32
      %dma_wait3A_370 = arith.constant 1 : i32
      %dma_wait3A_371 = arith.constant 0 : i32
      %dma_wait3A_372 = tpu.memref_slice %arg7[%dma_wait3A_370, %dma_wait3A_371] : memref<2x16384xf32, #tpu.memory_space<vmem>> -> memref<1x16384xf32, #tpu.memory_space<vmem>>
      %dma_wait3A_373 = tpu.memref_squeeze %dma_wait3A_372 : memref<1x16384xf32, #tpu.memory_space<vmem>> -> memref<16384xf32, #tpu.memory_space<vmem>>
      %dma_wait3A_374 = tpu.memref_slice %arg4[%add3A_369] : memref<16777216xf32, #tpu.memory_space<hbm>> -> memref<16384xf32, #tpu.memory_space<hbm>>
      %dma_wait3A_375 = tpu.memref_slice %arg4[%add3A_369] : memref<16777216xf32, #tpu.memory_space<hbm>> -> memref<16384xf32, #tpu.memory_space<hbm>>
      %dma_wait3A_376 = arith.constant 0 : i32
      %dma_wait3A_377 = tpu.memref_slice %arg7[%dma_wait3A_370, %dma_wait3A_376] : memref<2x16384xf32, #tpu.memory_space<vmem>> -> memref<1x16384xf32, #tpu.memory_space<vmem>>
      %dma_wait3A_378 = tpu.memref_squeeze %dma_wait3A_377 : memref<1x16384xf32, #tpu.memory_space<vmem>> -> memref<16384xf32, #tpu.memory_space<vmem>>
      tpu.wait_dma2 semaphore(%arg13 : memref<!tpu.dma_semaphore, #tpu.memory_space<semaphore_mem>>) src(%dma_wait3A_378 : memref<16384xf32, #tpu.memory_space<vmem>>) dst(%dma_wait3A_375 : memref<16384xf32, #tpu.memory_space<hbm>>)
      %parallel_loop3A_379 = arith.constant 0 : i32
      %parallel_loop3A_380 = arith.constant 16384 : i32
      %parallel_loop3A_381 = arith.constant 16 : i32
      scf.for %parallel_loop3A_417 = %parallel_loop3A_379 to %parallel_loop3A_380 step %parallel_loop3A_381  : i32 {
        %parallel_loop3A_418 = arith.constant 1 : i32
        %parallel_loop3A_419 = arith.index_cast %parallel_loop3A_418 : i32 to index
        %parallel_loop3A_420 = arith.index_cast %parallel_loop3A_417 : i32 to index
        %parallel_loop3A_421 = tpu.vector_load %arg5[%parallel_loop3A_419, %parallel_loop3A_420] {strides = array<i32>} : memref<2x16384xf32, #tpu.memory_space<vmem>>, vector<1x16xf32>,
        %parallel_loop3A_422 = vector.shape_cast %parallel_loop3A_421 : vector<1x16xf32> to vector<16xf32>
        %parallel_loop3A_423 = arith.constant 1 : i32
        %parallel_loop3A_424 = arith.index_cast %parallel_loop3A_423 : i32 to index
        %parallel_loop3A_425 = arith.index_cast %parallel_loop3A_417 : i32 to index
        %parallel_loop3A_426 = tpu.vector_load %arg6[%parallel_loop3A_424, %parallel_loop3A_425] {strides = array<i32>} : memref<2x16384xf32, #tpu.memory_space<vmem>>, vector<1x16xf32>,
        %parallel_loop3A_427 = vector.shape_cast %parallel_loop3A_426 : vector<1x16xf32> to vector<16xf32>
        %parallel_loop3A_428 = arith.addf %parallel_loop3A_422, %parallel_loop3A_427 : vector<16xf32>
        %parallel_loop3A_429 = arith.constant 1 : i32
        %parallel_loop3A_430 = arith.index_cast %parallel_loop3A_429 : i32 to index
        %parallel_loop3A_431 = arith.index_cast %parallel_loop3A_417 : i32 to index
        %parallel_loop3A_432 = tpu.vector_load %arg7[%parallel_loop3A_430, %parallel_loop3A_431] {strides = array<i32>} : memref<2x16384xf32, #tpu.memory_space<vmem>>, vector<1x16xf32>,
        %parallel_loop3A_433 = vector.shape_cast %parallel_loop3A_432 : vector<1x16xf32> to vector<16xf32>
        %parallel_loop3A_434 = vector.shape_cast %parallel_loop3A_428 : vector<16xf32> to vector<1x16xf32>
        tpu.vector_store %arg7[%parallel_loop3A_430, %parallel_loop3A_431], %parallel_loop3A_434 {strides = array<i32>} : memref<2x16384xf32, #tpu.memory_space<vmem>>, vector<1x16xf32>,
      } {sc.loop_unroll_factor = 8 : i64, sc.parallel_access}
      %mul3A_382 = arith.constant 16384 : i32
      %mul3A_383 = arith.muli %add3A_343, %mul3A_382 : i32
      %add3A_384 = arith.addi %mul3A_2, %mul3A_383 : i32
      %dma_start3A_385 = arith.constant 1 : i32
      %dma_start3A_386 = arith.constant 0 : i32
      %dma_start3A_387 = tpu.memref_slice %arg7[%dma_start3A_385, %dma_start3A_386] : memref<2x16384xf32, #tpu.memory_space<vmem>> -> memref<1x16384xf32, #tpu.memory_space<vmem>>
      %dma_start3A_388 = tpu.memref_squeeze %dma_start3A_387 : memref<1x16384xf32, #tpu.memory_space<vmem>> -> memref<16384xf32, #tpu.memory_space<vmem>>
      %dma_start3A_389 = tpu.memref_slice %arg4[%add3A_384] : memref<16777216xf32, #tpu.memory_space<hbm>> -> memref<16384xf32, #tpu.memory_space<hbm>>
      %dma_start3A_390 = tpu.memref_slice %arg4[%add3A_384] : memref<16777216xf32, #tpu.memory_space<hbm>> -> memref<16384xf32, #tpu.memory_space<hbm>>
      %dma_start3A_391 = arith.constant 0 : i32
      %dma_start3A_392 = tpu.memref_slice %arg7[%dma_start3A_385, %dma_start3A_391] : memref<2x16384xf32, #tpu.memory_space<vmem>> -> memref<1x16384xf32, #tpu.memory_space<vmem>>
      %dma_start3A_393 = tpu.memref_squeeze %dma_start3A_392 : memref<1x16384xf32, #tpu.memory_space<vmem>> -> memref<16384xf32, #tpu.memory_space<vmem>>
      tpu.enqueue_dma source(%dma_start3A_393 : memref<16384xf32, #tpu.memory_space<vmem>>) target(%dma_start3A_390 : memref<16384xf32, #tpu.memory_space<hbm>>) target_semaphore(%arg13 : memref<!tpu.dma_semaphore, #tpu.memory_space<semaphore_mem>>)
      %add3A_394 = arith.constant 2 : i32
      %add3A_395 = arith.addi %add3A_343, %add3A_394 : i32
      %mul3A_396 = arith.constant 16384 : i32
      %mul3A_397 = arith.muli %add3A_395, %mul3A_396 : i32
      %add3A_398 = arith.addi %mul3A_2, %mul3A_397 : i32
      %dma_start3A_399 = arith.constant 1 : i32
      %dma_start3A_400 = arith.constant 0 : i32
      %dma_start3A_401 = tpu.memref_slice %arg5[%dma_start3A_399, %dma_start3A_400] : memref<2x16384xf32, #tpu.memory_space<vmem>> -> memref<1x16384xf32, #tpu.memory_space<vmem>>
      %dma_start3A_402 = tpu.memref_squeeze %dma_start3A_401 : memref<1x16384xf32, #tpu.memory_space<vmem>> -> memref<16384xf32, #tpu.memory_space<vmem>>
      %dma_start3A_403 = tpu.memref_slice %arg2[%add3A_398] : memref<16777216xf32, #tpu.memory_space<hbm>> -> memref<16384xf32, #tpu.memory_space<hbm>>
      %dma_start3A_404 = arith.constant 0 : i32
      %dma_start3A_405 = tpu.memref_slice %arg5[%dma_start3A_399, %dma_start3A_404] : memref<2x16384xf32, #tpu.memory_space<vmem>> -> memref<1x16384xf32, #tpu.memory_space<vmem>>
      %dma_start3A_406 = tpu.memref_squeeze %dma_start3A_405 : memref<1x16384xf32, #tpu.memory_space<vmem>> -> memref<16384xf32, #tpu.memory_space<vmem>>
      %dma_start3A_407 = tpu.memref_slice %arg2[%add3A_398] : memref<16777216xf32, #tpu.memory_space<hbm>> -> memref<16384xf32, #tpu.memory_space<hbm>>
      tpu.enqueue_dma source(%dma_start3A_407 : memref<16384xf32, #tpu.memory_space<hbm>>) target(%dma_start3A_406 : memref<16384xf32, #tpu.memory_space<vmem>>) target_semaphore(%arg9 : memref<!tpu.dma_semaphore, #tpu.memory_space<semaphore_mem>>)
      %dma_start3A_408 = arith.constant 1 : i32
      %dma_start3A_409 = arith.constant 0 : i32
      %dma_start3A_410 = tpu.memref_slice %arg6[%dma_start3A_408, %dma_start3A_409] : memref<2x16384xf32, #tpu.memory_space<vmem>> -> memref<1x16384xf32, #tpu.memory_space<vmem>>
      %dma_start3A_411 = tpu.memref_squeeze %dma_start3A_410 : memref<1x16384xf32, #tpu.memory_space<vmem>> -> memref<16384xf32, #tpu.memory_space<vmem>>
      %dma_start3A_412 = tpu.memref_slice %arg3[%add3A_398] : memref<16777216xf32, #tpu.memory_space<hbm>> -> memref<16384xf32, #tpu.memory_space<hbm>>
      %dma_start3A_413 = arith.constant 0 : i32
      %dma_start3A_414 = tpu.memref_slice %arg6[%dma_start3A_408, %dma_start3A_413] : memref<2x16384xf32, #tpu.memory_space<vmem>> -> memref<1x16384xf32, #tpu.memory_space<vmem>>
      %dma_start3A_415 = tpu.memref_squeeze %dma_start3A_414 : memref<1x16384xf32, #tpu.memory_space<vmem>> -> memref<16384xf32, #tpu.memory_space<vmem>>
      %dma_start3A_416 = tpu.memref_slice %arg3[%add3A_398] : memref<16777216xf32, #tpu.memory_space<hbm>> -> memref<16384xf32, #tpu.memory_space<hbm>>
      tpu.enqueue_dma source(%dma_start3A_416 : memref<16384xf32, #tpu.memory_space<hbm>>) target(%dma_start3A_415 : memref<16384xf32, #tpu.memory_space<vmem>>) target_semaphore(%arg11 : memref<!tpu.dma_semaphore, #tpu.memory_space<semaphore_mem>>)
    }
    %scan3A_152 = arith.constant 6 : i32
    %add3A_153 = arith.constant 229376 : i32
    %add3A_154 = arith.addi %mul3A_2, %add3A_153 : i32
    %dma_wait3A_155 = arith.constant 0 : i32
    %dma_wait3A_156 = arith.constant 0 : i32
    %dma_wait3A_157 = tpu.memref_slice %arg5[%dma_wait3A_155, %dma_wait3A_156] : memref<2x16384xf32, #tpu.memory_space<vmem>> -> memref<1x16384xf32, #tpu.memory_space<vmem>>
    %dma_wait3A_158 = tpu.memref_squeeze %dma_wait3A_157 : memref<1x16384xf32, #tpu.memory_space<vmem>> -> memref<16384xf32, #tpu.memory_space<vmem>>
    %dma_wait3A_159 = tpu.memref_slice %arg2[%add3A_154] : memref<16777216xf32, #tpu.memory_space<hbm>> -> memref<16384xf32, #tpu.memory_space<hbm>>
    %dma_wait3A_160 = arith.constant 0 : i32
    %dma_wait3A_161 = tpu.memref_slice %arg5[%dma_wait3A_155, %dma_wait3A_160] : memref<2x16384xf32, #tpu.memory_space<vmem>> -> memref<1x16384xf32, #tpu.memory_space<vmem>>
    %dma_wait3A_162 = tpu.memref_squeeze %dma_wait3A_161 : memref<1x16384xf32, #tpu.memory_space<vmem>> -> memref<16384xf32, #tpu.memory_space<vmem>>
    %dma_wait3A_163 = tpu.memref_slice %arg2[%add3A_154] : memref<16777216xf32, #tpu.memory_space<hbm>> -> memref<16384xf32, #tpu.memory_space<hbm>>
    tpu.wait_dma2 semaphore(%arg8 : memref<!tpu.dma_semaphore, #tpu.memory_space<semaphore_mem>>) src(%dma_wait3A_163 : memref<16384xf32, #tpu.memory_space<hbm>>) dst(%dma_wait3A_162 : memref<16384xf32, #tpu.memory_space<vmem>>)
    %dma_wait3A_164 = arith.constant 0 : i32
    %dma_wait3A_165 = arith.constant 0 : i32
    %dma_wait3A_166 = tpu.memref_slice %arg6[%dma_wait3A_164, %dma_wait3A_165] : memref<2x16384xf32, #tpu.memory_space<vmem>> -> memref<1x16384xf32, #tpu.memory_space<vmem>>
    %dma_wait3A_167 = tpu.memref_squeeze %dma_wait3A_166 : memref<1x16384xf32, #tpu.memory_space<vmem>> -> memref<16384xf32, #tpu.memory_space<vmem>>
    %dma_wait3A_168 = tpu.memref_slice %arg3[%add3A_154] : memref<16777216xf32, #tpu.memory_space<hbm>> -> memref<16384xf32, #tpu.memory_space<hbm>>
    %dma_wait3A_169 = arith.constant 0 : i32
    %dma_wait3A_170 = tpu.memref_slice %arg6[%dma_wait3A_164, %dma_wait3A_169] : memref<2x16384xf32, #tpu.memory_space<vmem>> -> memref<1x16384xf32, #tpu.memory_space<vmem>>
    %dma_wait3A_171 = tpu.memref_squeeze %dma_wait3A_170 : memref<1x16384xf32, #tpu.memory_space<vmem>> -> memref<16384xf32, #tpu.memory_space<vmem>>
    %dma_wait3A_172 = tpu.memref_slice %arg3[%add3A_154] : memref<16777216xf32, #tpu.memory_space<hbm>> -> memref<16384xf32, #tpu.memory_space<hbm>>
    tpu.wait_dma2 semaphore(%arg10 : memref<!tpu.dma_semaphore, #tpu.memory_space<semaphore_mem>>) src(%dma_wait3A_172 : memref<16384xf32, #tpu.memory_space<hbm>>) dst(%dma_wait3A_171 : memref<16384xf32, #tpu.memory_space<vmem>>)
    %add3A_173 = arith.constant 196608 : i32
    %add3A_174 = arith.addi %mul3A_2, %add3A_173 : i32
    %dma_wait3A_175 = arith.constant 0 : i32
    %dma_wait3A_176 = arith.constant 0 : i32
    %dma_wait3A_177 = tpu.memref_slice %arg7[%dma_wait3A_175, %dma_wait3A_176] : memref<2x16384xf32, #tpu.memory_space<vmem>> -> memref<1x16384xf32, #tpu.memory_space<vmem>>
    %dma_wait3A_178 = tpu.memref_squeeze %dma_wait3A_177 : memref<1x16384xf32, #tpu.memory_space<vmem>> -> memref<16384xf32, #tpu.memory_space<vmem>>
    %dma_wait3A_179 = tpu.memref_slice %arg4[%add3A_174] : memref<16777216xf32, #tpu.memory_space<hbm>> -> memref<16384xf32, #tpu.memory_space<hbm>>
    %dma_wait3A_180 = tpu.memref_slice %arg4[%add3A_174] : memref<16777216xf32, #tpu.memory_space<hbm>> -> memref<16384xf32, #tpu.memory_space<hbm>>
    %dma_wait3A_181 = arith.constant 0 : i32
    %dma_wait3A_182 = tpu.memref_slice %arg7[%dma_wait3A_175, %dma_wait3A_181] : memref<2x16384xf32, #tpu.memory_space<vmem>> -> memref<1x16384xf32, #tpu.memory_space<vmem>>
    %dma_wait3A_183 = tpu.memref_squeeze %dma_wait3A_182 : memref<1x16384xf32, #tpu.memory_space<vmem>> -> memref<16384xf32, #tpu.memory_space<vmem>>
    tpu.wait_dma2 semaphore(%arg12 : memref<!tpu.dma_semaphore, #tpu.memory_space<semaphore_mem>>) src(%dma_wait3A_183 : memref<16384xf32, #tpu.memory_space<vmem>>) dst(%dma_wait3A_180 : memref<16384xf32, #tpu.memory_space<hbm>>)
    %parallel_loop3A_184 = arith.constant 0 : i32
    %parallel_loop3A_185 = arith.constant 16384 : i32
    %parallel_loop3A_186 = arith.constant 16 : i32
    scf.for %parallel_loop3A_265 = %parallel_loop3A_184 to %parallel_loop3A_185 step %parallel_loop3A_186  : i32 {
      %parallel_loop3A_266 = arith.constant 0 : i32
      %parallel_loop3A_267 = arith.index_cast %parallel_loop3A_266 : i32 to index
      %parallel_loop3A_268 = arith.index_cast %parallel_loop3A_265 : i32 to index
      %parallel_loop3A_269 = tpu.vector_load %arg5[%parallel_loop3A_267, %parallel_loop3A_268] {strides = array<i32>} : memref<2x16384xf32, #tpu.memory_space<vmem>>, vector<1x16xf32>,
      %parallel_loop3A_270 = vector.shape_cast %parallel_loop3A_269 : vector<1x16xf32> to vector<16xf32>
      %parallel_loop3A_271 = arith.constant 0 : i32
      %parallel_loop3A_272 = arith.index_cast %parallel_loop3A_271 : i32 to index
      %parallel_loop3A_273 = arith.index_cast %parallel_loop3A_265 : i32 to index
      %parallel_loop3A_274 = tpu.vector_load %arg6[%parallel_loop3A_272, %parallel_loop3A_273] {strides = array<i32>} : memref<2x16384xf32, #tpu.memory_space<vmem>>, vector<1x16xf32>,
      %parallel_loop3A_275 = vector.shape_cast %parallel_loop3A_274 : vector<1x16xf32> to vector<16xf32>
      %parallel_loop3A_276 = arith.addf %parallel_loop3A_270, %parallel_loop3A_275 : vector<16xf32>
      %parallel_loop3A_277 = arith.constant 0 : i32
      %parallel_loop3A_278 = arith.index_cast %parallel_loop3A_277 : i32 to index
      %parallel_loop3A_279 = arith.index_cast %parallel_loop3A_265 : i32 to index
      %parallel_loop3A_280 = tpu.vector_load %arg7[%parallel_loop3A_278, %parallel_loop3A_279] {strides = array<i32>} : memref<2x16384xf32, #tpu.memory_space<vmem>>, vector<1x16xf32>,
      %parallel_loop3A_281 = vector.shape_cast %parallel_loop3A_280 : vector<1x16xf32> to vector<16xf32>
      %parallel_loop3A_282 = vector.shape_cast %parallel_loop3A_276 : vector<16xf32> to vector<1x16xf32>
      tpu.vector_store %arg7[%parallel_loop3A_278, %parallel_loop3A_279], %parallel_loop3A_282 {strides = array<i32>} : memref<2x16384xf32, #tpu.memory_space<vmem>>, vector<1x16xf32>,
    } {sc.loop_unroll_factor = 8 : i64, sc.parallel_access}
    %add3A_187 = arith.constant 229376 : i32
    %add3A_188 = arith.addi %mul3A_2, %add3A_187 : i32
    %dma_start3A_189 = arith.constant 0 : i32
    %dma_start3A_190 = arith.constant 0 : i32
    %dma_start3A_191 = tpu.memref_slice %arg7[%dma_start3A_189, %dma_start3A_190] : memref<2x16384xf32, #tpu.memory_space<vmem>> -> memref<1x16384xf32, #tpu.memory_space<vmem>>
    %dma_start3A_192 = tpu.memref_squeeze %dma_start3A_191 : memref<1x16384xf32, #tpu.memory_space<vmem>> -> memref<16384xf32, #tpu.memory_space<vmem>>
    %dma_start3A_193 = tpu.memref_slice %arg4[%add3A_188] : memref<16777216xf32, #tpu.memory_space<hbm>> -> memref<16384xf32, #tpu.memory_space<hbm>>
    %dma_start3A_194 = tpu.memref_slice %arg4[%add3A_188] : memref<16777216xf32, #tpu.memory_space<hbm>> -> memref<16384xf32, #tpu.memory_space<hbm>>
    %dma_start3A_195 = arith.constant 0 : i32
    %dma_start3A_196 = tpu.memref_slice %arg7[%dma_start3A_189, %dma_start3A_195] : memref<2x16384xf32, #tpu.memory_space<vmem>> -> memref<1x16384xf32, #tpu.memory_space<vmem>>
    %dma_start3A_197 = tpu.memref_squeeze %dma_start3A_196 : memref<1x16384xf32, #tpu.memory_space<vmem>> -> memref<16384xf32, #tpu.memory_space<vmem>>
    tpu.enqueue_dma source(%dma_start3A_197 : memref<16384xf32, #tpu.memory_space<vmem>>) target(%dma_start3A_194 : memref<16384xf32, #tpu.memory_space<hbm>>) target_semaphore(%arg12 : memref<!tpu.dma_semaphore, #tpu.memory_space<semaphore_mem>>)
    %add3A_198 = arith.constant 245760 : i32
    %add3A_199 = arith.addi %mul3A_2, %add3A_198 : i32
    %dma_wait3A_200 = arith.constant 1 : i32
    %dma_wait3A_201 = arith.constant 0 : i32
    %dma_wait3A_202 = tpu.memref_slice %arg5[%dma_wait3A_200, %dma_wait3A_201] : memref<2x16384xf32, #tpu.memory_space<vmem>> -> memref<1x16384xf32, #tpu.memory_space<vmem>>
    %dma_wait3A_203 = tpu.memref_squeeze %dma_wait3A_202 : memref<1x16384xf32, #tpu.memory_space<vmem>> -> memref<16384xf32, #tpu.memory_space<vmem>>
    %dma_wait3A_204 = tpu.memref_slice %arg2[%add3A_199] : memref<16777216xf32, #tpu.memory_space<hbm>> -> memref<16384xf32, #tpu.memory_space<hbm>>
    %dma_wait3A_205 = arith.constant 0 : i32
    %dma_wait3A_206 = tpu.memref_slice %arg5[%dma_wait3A_200, %dma_wait3A_205] : memref<2x16384xf32, #tpu.memory_space<vmem>> -> memref<1x16384xf32, #tpu.memory_space<vmem>>
    %dma_wait3A_207 = tpu.memref_squeeze %dma_wait3A_206 : memref<1x16384xf32, #tpu.memory_space<vmem>> -> memref<16384xf32, #tpu.memory_space<vmem>>
    %dma_wait3A_208 = tpu.memref_slice %arg2[%add3A_199] : memref<16777216xf32, #tpu.memory_space<hbm>> -> memref<16384xf32, #tpu.memory_space<hbm>>
    tpu.wait_dma2 semaphore(%arg9 : memref<!tpu.dma_semaphore, #tpu.memory_space<semaphore_mem>>) src(%dma_wait3A_208 : memref<16384xf32, #tpu.memory_space<hbm>>) dst(%dma_wait3A_207 : memref<16384xf32, #tpu.memory_space<vmem>>)
    %dma_wait3A_209 = arith.constant 1 : i32
    %dma_wait3A_210 = arith.constant 0 : i32
    %dma_wait3A_211 = tpu.memref_slice %arg6[%dma_wait3A_209, %dma_wait3A_210] : memref<2x16384xf32, #tpu.memory_space<vmem>> -> memref<1x16384xf32, #tpu.memory_space<vmem>>
    %dma_wait3A_212 = tpu.memref_squeeze %dma_wait3A_211 : memref<1x16384xf32, #tpu.memory_space<vmem>> -> memref<16384xf32, #tpu.memory_space<vmem>>
    %dma_wait3A_213 = tpu.memref_slice %arg3[%add3A_199] : memref<16777216xf32, #tpu.memory_space<hbm>> -> memref<16384xf32, #tpu.memory_space<hbm>>
    %dma_wait3A_214 = arith.constant 0 : i32
    %dma_wait3A_215 = tpu.memref_slice %arg6[%dma_wait3A_209, %dma_wait3A_214] : memref<2x16384xf32, #tpu.memory_space<vmem>> -> memref<1x16384xf32, #tpu.memory_space<vmem>>
    %dma_wait3A_216 = tpu.memref_squeeze %dma_wait3A_215 : memref<1x16384xf32, #tpu.memory_space<vmem>> -> memref<16384xf32, #tpu.memory_space<vmem>>
    %dma_wait3A_217 = tpu.memref_slice %arg3[%add3A_199] : memref<16777216xf32, #tpu.memory_space<hbm>> -> memref<16384xf32, #tpu.memory_space<hbm>>
    tpu.wait_dma2 semaphore(%arg11 : memref<!tpu.dma_semaphore, #tpu.memory_space<semaphore_mem>>) src(%dma_wait3A_217 : memref<16384xf32, #tpu.memory_space<hbm>>) dst(%dma_wait3A_216 : memref<16384xf32, #tpu.memory_space<vmem>>)
    %add3A_218 = arith.constant 212992 : i32
    %add3A_219 = arith.addi %mul3A_2, %add3A_218 : i32
    %dma_wait3A_220 = arith.constant 1 : i32
    %dma_wait3A_221 = arith.constant 0 : i32
    %dma_wait3A_222 = tpu.memref_slice %arg7[%dma_wait3A_220, %dma_wait3A_221] : memref<2x16384xf32, #tpu.memory_space<vmem>> -> memref<1x16384xf32, #tpu.memory_space<vmem>>
    %dma_wait3A_223 = tpu.memref_squeeze %dma_wait3A_222 : memref<1x16384xf32, #tpu.memory_space<vmem>> -> memref<16384xf32, #tpu.memory_space<vmem>>
    %dma_wait3A_224 = tpu.memref_slice %arg4[%add3A_219] : memref<16777216xf32, #tpu.memory_space<hbm>> -> memref<16384xf32, #tpu.memory_space<hbm>>
    %dma_wait3A_225 = tpu.memref_slice %arg4[%add3A_219] : memref<16777216xf32, #tpu.memory_space<hbm>> -> memref<16384xf32, #tpu.memory_space<hbm>>
    %dma_wait3A_226 = arith.constant 0 : i32
    %dma_wait3A_227 = tpu.memref_slice %arg7[%dma_wait3A_220, %dma_wait3A_226] : memref<2x16384xf32, #tpu.memory_space<vmem>> -> memref<1x16384xf32, #tpu.memory_space<vmem>>
    %dma_wait3A_228 = tpu.memref_squeeze %dma_wait3A_227 : memref<1x16384xf32, #tpu.memory_space<vmem>> -> memref<16384xf32, #tpu.memory_space<vmem>>
    tpu.wait_dma2 semaphore(%arg13 : memref<!tpu.dma_semaphore, #tpu.memory_space<semaphore_mem>>) src(%dma_wait3A_228 : memref<16384xf32, #tpu.memory_space<vmem>>) dst(%dma_wait3A_225 : memref<16384xf32, #tpu.memory_space<hbm>>)
    %parallel_loop3A_229 = arith.constant 0 : i32
    %parallel_loop3A_230 = arith.constant 16384 : i32
    %parallel_loop3A_231 = arith.constant 16 : i32
    scf.for %parallel_loop3A_265 = %parallel_loop3A_229 to %parallel_loop3A_230 step %parallel_loop3A_231  : i32 {
      %parallel_loop3A_266 = arith.constant 1 : i32
      %parallel_loop3A_267 = arith.index_cast %parallel_loop3A_266 : i32 to index
      %parallel_loop3A_268 = arith.index_cast %parallel_loop3A_265 : i32 to index
      %parallel_loop3A_269 = tpu.vector_load %arg5[%parallel_loop3A_267, %parallel_loop3A_268] {strides = array<i32>} : memref<2x16384xf32, #tpu.memory_space<vmem>>, vector<1x16xf32>,
      %parallel_loop3A_270 = vector.shape_cast %parallel_loop3A_269 : vector<1x16xf32> to vector<16xf32>
      %parallel_loop3A_271 = arith.constant 1 : i32
      %parallel_loop3A_272 = arith.index_cast %parallel_loop3A_271 : i32 to index
      %parallel_loop3A_273 = arith.index_cast %parallel_loop3A_265 : i32 to index
      %parallel_loop3A_274 = tpu.vector_load %arg6[%parallel_loop3A_272, %parallel_loop3A_273] {strides = array<i32>} : memref<2x16384xf32, #tpu.memory_space<vmem>>, vector<1x16xf32>,
      %parallel_loop3A_275 = vector.shape_cast %parallel_loop3A_274 : vector<1x16xf32> to vector<16xf32>
      %parallel_loop3A_276 = arith.addf %parallel_loop3A_270, %parallel_loop3A_275 : vector<16xf32>
      %parallel_loop3A_277 = arith.constant 1 : i32
      %parallel_loop3A_278 = arith.index_cast %parallel_loop3A_277 : i32 to index
      %parallel_loop3A_279 = arith.index_cast %parallel_loop3A_265 : i32 to index
      %parallel_loop3A_280 = tpu.vector_load %arg7[%parallel_loop3A_278, %parallel_loop3A_279] {strides = array<i32>} : memref<2x16384xf32, #tpu.memory_space<vmem>>, vector<1x16xf32>,
      %parallel_loop3A_281 = vector.shape_cast %parallel_loop3A_280 : vector<1x16xf32> to vector<16xf32>
      %parallel_loop3A_282 = vector.shape_cast %parallel_loop3A_276 : vector<16xf32> to vector<1x16xf32>
      tpu.vector_store %arg7[%parallel_loop3A_278, %parallel_loop3A_279], %parallel_loop3A_282 {strides = array<i32>} : memref<2x16384xf32, #tpu.memory_space<vmem>>, vector<1x16xf32>,
    } {sc.loop_unroll_factor = 8 : i64, sc.parallel_access}
    %add3A_232 = arith.constant 245760 : i32
    %add3A_233 = arith.addi %mul3A_2, %add3A_232 : i32
    %dma_start3A_234 = arith.constant 1 : i32
    %dma_start3A_235 = arith.constant 0 : i32
    %dma_start3A_236 = tpu.memref_slice %arg7[%dma_start3A_234, %dma_start3A_235] : memref<2x16384xf32, #tpu.memory_space<vmem>> -> memref<1x16384xf32, #tpu.memory_space<vmem>>
    %dma_start3A_237 = tpu.memref_squeeze %dma_start3A_236 : memref<1x16384xf32, #tpu.memory_space<vmem>> -> memref<16384xf32, #tpu.memory_space<vmem>>
    %dma_start3A_238 = tpu.memref_slice %arg4[%add3A_233] : memref<16777216xf32, #tpu.memory_space<hbm>> -> memref<16384xf32, #tpu.memory_space<hbm>>
    %dma_start3A_239 = tpu.memref_slice %arg4[%add3A_233] : memref<16777216xf32, #tpu.memory_space<hbm>> -> memref<16384xf32, #tpu.memory_space<hbm>>
    %dma_start3A_240 = arith.constant 0 : i32
    %dma_start3A_241 = tpu.memref_slice %arg7[%dma_start3A_234, %dma_start3A_240] : memref<2x16384xf32, #tpu.memory_space<vmem>> -> memref<1x16384xf32, #tpu.memory_space<vmem>>
    %dma_start3A_242 = tpu.memref_squeeze %dma_start3A_241 : memref<1x16384xf32, #tpu.memory_space<vmem>> -> memref<16384xf32, #tpu.memory_space<vmem>>
    tpu.enqueue_dma source(%dma_start3A_242 : memref<16384xf32, #tpu.memory_space<vmem>>) target(%dma_start3A_239 : memref<16384xf32, #tpu.memory_space<hbm>>) target_semaphore(%arg13 : memref<!tpu.dma_semaphore, #tpu.memory_space<semaphore_mem>>)
    %add3A_243 = arith.constant 229376 : i32
    %add3A_244 = arith.addi %mul3A_2, %add3A_243 : i32
    %dma_wait3A_245 = arith.constant 0 : i32
    %dma_wait3A_246 = arith.constant 0 : i32
    %dma_wait3A_247 = tpu.memref_slice %arg7[%dma_wait3A_245, %dma_wait3A_246] : memref<2x16384xf32, #tpu.memory_space<vmem>> -> memref<1x16384xf32, #tpu.memory_space<vmem>>
    %dma_wait3A_248 = tpu.memref_squeeze %dma_wait3A_247 : memref<1x16384xf32, #tpu.memory_space<vmem>> -> memref<16384xf32, #tpu.memory_space<vmem>>
    %dma_wait3A_249 = tpu.memref_slice %arg4[%add3A_244] : memref<16777216xf32, #tpu.memory_space<hbm>> -> memref<16384xf32, #tpu.memory_space<hbm>>
    %dma_wait3A_250 = tpu.memref_slice %arg4[%add3A_244] : memref<16777216xf32, #tpu.memory_space<hbm>> -> memref<16384xf32, #tpu.memory_space<hbm>>
    %dma_wait3A_251 = arith.constant 0 : i32
    %dma_wait3A_252 = tpu.memref_slice %arg7[%dma_wait3A_245, %dma_wait3A_251] : memref<2x16384xf32, #tpu.memory_space<vmem>> -> memref<1x16384xf32, #tpu.memory_space<vmem>>
    %dma_wait3A_253 = tpu.memref_squeeze %dma_wait3A_252 : memref<1x16384xf32, #tpu.memory_space<vmem>> -> memref<16384xf32, #tpu.memory_space<vmem>>
    tpu.wait_dma2 semaphore(%arg12 : memref<!tpu.dma_semaphore, #tpu.memory_space<semaphore_mem>>) src(%dma_wait3A_253 : memref<16384xf32, #tpu.memory_space<vmem>>) dst(%dma_wait3A_250 : memref<16384xf32, #tpu.memory_space<hbm>>)
    %add3A_254 = arith.constant 245760 : i32
    %add3A_255 = arith.addi %mul3A_2, %add3A_254 : i32
    %dma_wait3A_256 = arith.constant 1 : i32
    %dma_wait3A_257 = arith.constant 0 : i32
    %dma_wait3A_258 = tpu.memref_slice %arg7[%dma_wait3A_256, %dma_wait3A_257] : memref<2x16384xf32, #tpu.memory_space<vmem>> -> memref<1x16384xf32, #tpu.memory_space<vmem>>
    %dma_wait3A_259 = tpu.memref_squeeze %dma_wait3A_258 : memref<1x16384xf32, #tpu.memory_space<vmem>> -> memref<16384xf32, #tpu.memory_space<vmem>>
    %dma_wait3A_260 = tpu.memref_slice %arg4[%add3A_255] : memref<16777216xf32, #tpu.memory_space<hbm>> -> memref<16384xf32, #tpu.memory_space<hbm>>
    %dma_wait3A_261 = tpu.memref_slice %arg4[%add3A_255] : memref<16777216xf32, #tpu.memory_space<hbm>> -> memref<16384xf32, #tpu.memory_space<hbm>>
    %dma_wait3A_262 = arith.constant 0 : i32
    %dma_wait3A_263 = tpu.memref_slice %arg7[%dma_wait3A_256, %dma_wait3A_262] : memref<2x16384xf32, #tpu.memory_space<vmem>> -> memref<1x16384xf32, #tpu.memory_space<vmem>>
    %dma_wait3A_264 = tpu.memref_squeeze %dma_wait3A_263 : memref<1x16384xf32, #tpu.memory_space<vmem>> -> memref<16384xf32, #tpu.memory_space<vmem>>
    tpu.wait_dma2 semaphore(%arg13 : memref<!tpu.dma_semaphore, #tpu.memory_space<semaphore_mem>>) src(%dma_wait3A_264 : memref<16384xf32, #tpu.memory_space<vmem>>) dst(%dma_wait3A_261 : memref<16384xf32, #tpu.memory_space<hbm>>)
    return
  }
}

module attributes {stable_mosaic.version = 14 : i64} {
  func.func @_tc_body(%arg0: i32, %arg1: memref<524288xf32, #tpu.memory_space<vmem>>, %arg2: memref<524288xf32, #tpu.memory_space<vmem>>, %arg3: memref<16777216xf32, #tpu.memory_space<any>>, %arg4: memref<524288xf32, #tpu.memory_space<vmem>>) attributes {dimension_semantics = [#tpu.dimension_semantics<arbitrary>], iteration_bounds = array<i64: 16>, scalar_prefetch = 0 : i64, scratch_operands = 0 : i64, tpu.core_type = #tpu.core_type<tc>, window_params = [{transform_indices = @transform_0, window_bounds = array<i64: 524288>}, {transform_indices = @transform_1, window_bounds = array<i64: 524288>}, {}, {transform_indices = @transform_3, window_bounds = array<i64: 524288>}]} {
    %get3A = arith.constant 0 : index
    %get3A_0 = vector.load %arg1[%get3A] : memref<524288xf32, #tpu.memory_space<vmem>>, vector<524288xf32>
    %get3A_1 = arith.constant 0 : index
    %get3A_2 = vector.load %arg2[%get3A_1] : memref<524288xf32, #tpu.memory_space<vmem>>, vector<524288xf32>
    %add3A = arith.addf %get3A_0, %get3A_2 : vector<524288xf32>
    %swap3A = arith.constant 0 : index
    %swap3A_3 = vector.load %arg4[%swap3A] : memref<524288xf32, #tpu.memory_space<vmem>>, vector<524288xf32>
    tpu.vector_store %arg4[%swap3A], %add3A {strides = array<i32>} : memref<524288xf32, #tpu.memory_space<vmem>>, vector<524288xf32>,
    return
  }
  func.func @transform_0(%arg0: i32) -> i32 {
    %add3A = arith.constant 16 : i32
    %add3A_0 = arith.addi %arg0, %add3A : i32
    %c0_i32 = arith.constant 0 : i32
    return %add3A_0 : i32
  }
  func.func @transform_1(%arg0: i32) -> i32 {
    %add3A = arith.constant 16 : i32
    %add3A_0 = arith.addi %arg0, %add3A : i32
    %c0_i32 = arith.constant 0 : i32
    return %add3A_0 : i32
  }
  func.func @transform_3(%arg0: i32) -> i32 {
    %add3A = arith.constant 16 : i32
    %add3A_0 = arith.addi %arg0, %add3A : i32
    %c0_i32 = arith.constant 0 : i32
    return %add3A_0 : i32
  }
}

</mosaic_0001>

<sc_bundles>
// kernel: kernel.4.cloned.1.call-start
scs
__scs_entry_jumppad:
0x0: {  	(pc) =	sbr.rel $0x88, $3  }
0x1: {  	(tag) =	ssettag $0x0;
	lr =	simm.s32 $0x1  }
0x2: {  	[smem:$0x3F9F] =	sst lr;
	_ =	strace $0xD0000000  }
0x3: {  	_ = 	snop  }
0x4: {  	_ = 	snop  }
0x5: {  	_ = 	snop  }
0x6: {  	_ = 	snop  }
0x7: {  	_ = 	snop  }
__scs_overlays_trampoline_lowered:
0x8: {  	[smem:$0x3FAE] =	sst s0  }
0x9: {  	[smem:$0x3FAF] =	sst s1  }
0xa: {  	[smem:$0x3FB0] =	sst s2  }
0xb: {  	[smem:$0x3FB1] =	sst s3  }
0xc: {  	[smem:$0x3FB2] =	sst s4  }
0xd: {  	[smem:$0x3FB3] =	sst s5  }
0xe: {  	[smem:$0x3FB4] =	sst s6  }
0xf: {  	[smem:$0x3FB5] =	sst s7  }
0x10: {  	[smem:$0x3FB6] =	sst s8  }
0x11: {  	[smem:$0x3FB7] =	sst s9;
	s0 =	simm.s32 @!p0 $0x0  }
0x12: {  	s1 =	sld [smem:$0x3F9D];
	s0 =	simm.s32 @p0 $0x1  }
0x13: {  	[smem:$0x3FB8] =	sst s0;
	s0 =	simm.s32 @!p1 $0x0  }
0x14: {  	s2 =	sld [smem:$0x3F9C];
	s0 =	simm.s32 @p1 $0x1  }
0x15: {  	[smem:$0x3FB9] =	sst s0;
	s0 =	simm.s32 @!p2 $0x0  }
0x16: {  	s3 =	sld [smem:$0x3FDB];
	s0 =	simm.s32 @p2 $0x1  }
0x17: {  	s4 =	simm.s32 $0x1BF5;
	[smem:$0x3FBB] =	sst s0  }
0x18: {  	s0 =	sld [smem:$0x3F9E];
	_ =	swait.ge [sflag:s4], $0x0  }
0x19: {  	s7 =	sld [smem:$0x3F9F]  }
0x1a: {  	s8 =	sadd.s32 $0xFFFFE003, lr  }
0x1b: {  	s9 =	sadd.s32 $0xFFFFFEF7, lr;
	s5 =	simm.s32 $0xFFFFFFFF;
	p2 =	slt.u32 s8, $0xFFFFF086  }
0x1c: {  	p1 =	slt.u32 s9, $0xF7A;
	s5 =	simm.s32 @!p2 $0x0  }
0x1d: {  	s5 =	simm.s32 @p1 $0x1;
	p0 =	seq.s32 s7, s2  }
0x1e: {  	s7 =	smul.u32 @!p0 $0xF7A, s2;
	p2 =	seq.s32 @!p0 s5, $0x0  }
0x1f: {  	s9 =	smul.u32 $0xF7A, s1;
	s8 =	simm.s32 @!p0 $0x1BF5;
	p2 =	por !p2, p0  }
0x20: {  	[sflag:s8] =	ssyncset.s32 @!p0 $0xFFFFF086;
	s6 =	sadd.s32 @!p0 s3, s7;
	s7 =	simm.s32 @!p0 $0x108  }
0x21: {  	s3 =	sadd.s32 s3, s9;
	s6 =	sadd.s32 @!p0 $0x88, s6;
	s7 =	simm.s32 @p2 $0x1082  }
0x22: {  	[simem:s7], [sflag:s8] =	dma.local @!p0 [hbm:s6], $0xF7A  }
0x23: {  	s9 =	sor.u32 $0xD0000000, s2;
	s6 =	simm.s32 $0x108;
	_ =	swait.ge @!p0 [sflag:s8], $0x0  }
0x24: {  	s3 =	sadd.s32 $0x88, s3;
	s6 =	simm.s32 @!p1 $0x1082;
	[sflag:s4] =	ssyncset.s32 $0xFFFFF086  }
0x25: {  	[simem:s6], [sflag:s4] =	dma.local [hbm:s3], $0xF7A  }
0x26: {  	[smem:$0x3F9F] =	sst s1;
	(tag) =	ssettag s2;
	_ =	strace s9  }
0x27: {  	s1 =	sld [smem:$0x3FAF]  }
0x28: {  	s2 =	sld [smem:$0x3FB0]  }
0x29: {  	s4 =	sld [smem:$0x3FB2]  }
0x2a: {  	p0 =	seq.s32 s5, $0x0;
	s5 =	sld [smem:$0x3FB3]  }
0x2b: {  	s6 =	sld [smem:$0x3FB4]  }
0x2c: {  	s7 =	sld [smem:$0x3FB5]  }
0x2d: {  	s3 =	simm.s32 $0x108;
	s8 =	sld [smem:$0x3FB6]  }
0x2e: {  	s3 =	simm.s32 @!p0 $0x1082;
	s9 =	sld [smem:$0x3FB7]  }
0x2f: {  	lr =	sadd.s32 s0, s3;
	s0 =	sld [smem:$0x3FAE]  }
0x30: {  	s3 =	sld [smem:$0x3FB1]  }
0x31: {  	[smem:$0x3FBA] =	sst s10  }
0x32: {  	s10 =	sld [smem:$0x3FB8];
	_ =	sdelay $0x3  }
0x33: {  	p0 =	seq.s32 s10, $0x1;
	s10 =	sld [smem:$0x3FBA];
	_ =	sdelay $0x3  }
0x34: {  	[smem:$0x3FBA] =	sst s10  }
0x35: {  	s10 =	sld [smem:$0x3FB9];
	_ =	sdelay $0x3  }
0x36: {  	p1 =	seq.s32 s10, $0x1;
	s10 =	sld [smem:$0x3FBA];
	_ =	sdelay $0x3  }
0x37: {  	[smem:$0x3FBA] =	sst s10  }
0x38: {  	s10 =	sld [smem:$0x3FBB]  }
0x39: {  	_ = 	snop;
	(pc) =	sbr.ind lr, $3  }
0x3a: {  	_ = 	snop  }
0x3b: {  	_ = 	snop  }
0x3c: {  	p2 =	seq.s32 s10, $0x1;
	s10 =	sld [smem:$0x3FBA]  }
0x3d: {  	_ =	shalt  }
0x3e: {  	_ =	shalt  }
0x3f: {  	_ =	shalt  }
0x40: {  	_ =	shalt  }
0x41: {  	_ =	shalt  }
0x42: {  	_ =	shalt  }
0x43: {  	_ =	shalt  }
0x44: {  	_ =	shalt  }
0x45: {  	_ =	shalt  }
0x46: {  	_ =	shalt  }
0x47: {  	_ =	shalt  }
0x48: {  	_ =	shalt  }
0x49: {  	_ =	shalt  }
0x4a: {  	_ =	shalt  }
0x4b: {  	_ =	shalt  }
0x4c: {  	_ =	shalt  }
0x4d: {  	_ =	shalt  }
0x4e: {  	_ =	shalt  }
0x4f: {  	_ =	shalt  }
0x50: {  	_ =	shalt  }
0x51: {  	_ =	shalt  }
0x52: {  	_ =	shalt  }
0x53: {  	_ =	shalt  }
0x54: {  	_ =	shalt  }
0x55: {  	_ =	shalt  }
0x56: {  	_ =	shalt  }
0x57: {  	_ =	shalt  }
0x58: {  	_ =	shalt  }
0x59: {  	_ =	shalt  }
0x5a: {  	_ =	shalt  }
0x5b: {  	_ =	shalt  }
0x5c: {  	_ =	shalt  }
0x5d: {  	_ =	shalt  }
0x5e: {  	_ =	shalt  }
0x5f: {  	_ =	shalt  }
0x60: {  	_ =	shalt  }
0x61: {  	_ =	shalt  }
0x62: {  	_ =	shalt  }
0x63: {  	_ =	shalt  }
0x64: {  	_ =	shalt  }
0x65: {  	_ =	shalt  }
0x66: {  	_ =	shalt  }
0x67: {  	_ =	shalt  }
0x68: {  	_ =	shalt  }
0x69: {  	_ =	shalt  }
0x6a: {  	_ =	shalt  }
0x6b: {  	_ =	shalt  }
0x6c: {  	_ =	shalt  }
0x6d: {  	_ =	shalt  }
0x6e: {  	_ =	shalt  }
0x6f: {  	_ =	shalt  }
0x70: {  	_ =	shalt  }
0x71: {  	_ =	shalt  }
0x72: {  	_ =	shalt  }
0x73: {  	_ =	shalt  }
0x74: {  	_ =	shalt  }
0x75: {  	_ =	shalt  }
0x76: {  	_ =	shalt  }
0x77: {  	_ =	shalt  }
0x78: {  	_ =	shalt  }
0x79: {  	_ =	shalt  }
0x7a: {  	_ =	shalt  }
0x7b: {  	_ =	shalt  }
0x7c: {  	_ =	shalt  }
0x7d: {  	_ =	shalt  }
0x7e: {  	_ =	shalt  }
0x7f: {  	_ =	shalt  }
0x80: {  	_ =	shalt  }
0x81: {  	_ =	shalt  }
0x82: {  	_ =	shalt  }
0x83: {  	_ =	shalt  }
0x84: {  	_ =	shalt  }
0x85: {  	_ =	shalt  }
0x86: {  	_ =	shalt  }
0x87: {  	_ =	shalt  }
.Lfunc_end0:
.L_simem_size_0:
called_computation_lowered:
.L_overlay_start_0:
0x88: {  	s2 =	sld [smem:$0x3FD9]  }
0x89: {  	s3 =	sld [smem:$0x3FFE];
	_ =	sdelay $0x1  }
0x8a: {  	s1 =	srdreg.scid  }
0x8b: {  	s0 =	sand.u32 $0x1, s1  }
0x8c: {  	s18 =	sshll.u32 s0, $0xA;
	s2 =	sadd.s32 s3, s2  }
0x8d: {  	s2 =	sadd.s32 s2, s18  }
0x8e: {  	[smem:$0x3FC6] =	sst s2  }
0x8f: {  	_ = 	snop  }
0x90: {  	s2 =	sld [smem:$0x3FC9]  }
0x91: {  	s19 =	sld [smem:$0x3FC8]  }
0x92: {  	s4 =	sld [smem:$0x3FD0];
	(tm) =	ssettm $0x1  }
0x93: {  	s5 =	sld [smem:$0x3FFB];
	_ =	sdelay $0x3  }
0x94: {  	_ =	strace s5  }
0x95: {  	s5 =	sld [smem:$0x3FFC];
	_ =	sdelay $0x3  }
0x96: {  	_ =	strace s5  }
0x97: {  	s5 =	sld [smem:$0x3FFD];
	_ =	sdelay $0x3  }
0x98: {  	_ =	strace s5  }
0x99: {  	_ =	strace $0x8FFFFFFF  }
0x9a: {  	s20 =	sld [smem:$0x3FDB];
	_ =	sdelay $0x1  }
0x9b: {  	s6 =	simm.s32 $_scs_section_size  }
0x9c: {  	s7 =	simm.s32 $_size__tile_overlayer_lowered;
	s8 =	simm.s32 $_tile_overlayer_lowered  }
0x9d: {  	s23 =	simm.s32 $0x1BFF;
	s22 =	sshll.u32 s8, $0x1;
	s5 =	sadd.s32 s6, s20  }
0x9e: {  	s9 =	simm.s32 $0x0;
	s21 =	sshll.u32 s7, $0x1;
	s7 =	sadd.s32 s22, s5  }
0x9f: {  	[timem:s9], [sflag:s23] =	dma.local [hbm:s7], s21  }
0xa0: {  	_ =	swait.ge [sflag:s23], s21  }
0xa1: {  	s6 =	ssub.s32 $0x0, s21;
	[sflag:s23] =	ssyncset.done $0x0  }
0xa2: {  	[sflag:s23] =	ssyncadd.s32 s6;
	_ =	sdelay $0x1  }
0xa3: {  	s24 =	simm.s32 $0x1B8B  }
0xa4: {  	_ =	swait.ge [sflag:s24], $0x1  }
0xa5: {  	[sflag:s24] =	ssyncset.done $0x0  }
0xa6: {  	s25 =	simm.s32 $0x1B8E;
	[sflag:s24] =	ssyncadd.s32 $0xFFFFFFFF  }
0xa7: {  	s26 =	simm.s32 $execute0_lowered;
	[smem:$0x3FD2] =	sst s25  }
0xa8: {  	s6 =	sshll.u32 s26, $0x1;
	_ =	strace $0x80000046;
	[dreg:$0x1] =	wrdreg $0xFFFFFFFF  }
0xa9: {  	s28 =	simm.s32 $_size_execute0_lowered;
	s5 =	sadd.s32 s5, s6;
	[dreg:$0x0] =	wrdreg $0x0  }
0xaa: {  	s6 =	sshll.u32 s28, $0x1;
	[dreg:$0x2] =	wrdreg s5  }
0xab: {  	[dreg:$0x3] =	wrdreg s6  }
0xac: {  	[dreg:$0x4] =	wrdreg $0xC0  }
0xad: {  	_ =	task [dreg:s9], $0x5FFFF  }
0xae: {  	[dreg:$0x1] =	wrdreg $0xFFFFFFFF  }
0xaf: {  	[dreg:$0x0] =	wrdreg $0x60  }
0xb0: {  	[dreg:$0x2] =	wrdreg s2  }
0xb1: {  	[dreg:$0x3] =	wrdreg s19  }
0xb2: {  	[dreg:$0x4] =	wrdreg s4  }
0xb3: {  	[dreg:$0x5] =	wrdreg $0x9  }
0xb4: {  	_ =	task.clear_ibuf [dreg:s9], $0x6FFFF;
	_ =	strace $0x90000046  }
0xb5: {  	s29 =	simm.s32 $0x9;
	_ =	strace $0x80000048  }
0xb6: {  	_ =	swait.ge [sflag:s29], $0x1  }
0xb7: {  	[sflag:s29] =	ssyncadd.s32 $0xFFFFFFFF  }
0xb8: {  	_ =	strace $0x90000048  }
0xb9: {  	_ =	sfence  }
0xba: {  	s30 =	sld [smem:$0x0];
	_ =	sdelay $0x2  }
0xbb: {  	s31 =	sshll.u32 s1, $0xD;
	s1 =	sshrl.u32 s1, $0x2  }
0xbc: {  	s3 =	sand.u32 $0x4000, s31;
	s1 =	sadd.s32 s1, s30  }
0xbd: {  	s0 =	sor.u32 s3, s0;
	s1 =	sshll.u32 s1, $0x11  }
0xbe: {  	s0 =	sor.u32 s1, s0  }
0xbf: {  	s0 =	sadd.s32 $0x8F2B, s0  }
0xc0: {  	[sflag:s0] =	ssyncadd.remote.s32 $0x1  }
0xc1: {  	_ =	sfence.sel $0xFFFF  }
0xc2: {  	[dreg:$0x0] =	wrdreg $0xFFFFFFFF;
	(pc) =	sbr.abs _section_cstart, $3  }
0xc3: {  	[dreg:$0x1] =	wrdreg $0xFFFFFFFF  }
0xc4: {  	_ =	task.clear_ibuf [dreg:s9], $0x2FFFF;
	_ =	strace $0x9FFFFFFF  }
0xc5: {  	(tm) =	ssettm $0x7FFFFFFF  }
tec
execute0_lowered:
.L_overlay_start_1:
0x0: {  	(tag) =	ssettag $0x1  }
0x1: {  	s4 =	rddreg [dreg:$0x0]  }
0x2: {  	s18 =	rddreg [dreg:$0x1]  }
0x3: {  	s0 =	srdreg.scid;
	s6 =	rddreg [dreg:$0x2]  }
0x4: {  	s1 =	stileid.u32;
	s5 =	simm.s32 $0x0;
	s22 =	simm.s32 $0x1  }
0x5: {  	s23 =	simm.s32 $0x3;
	s24 =	simm.s32 $0x2;
	s25 =	simm.s32 $0x4  }
0x6: {  	s28 =	simm.s32 $0x6;
	s0 =	sand.u32 $0x1, s0;
	s1 =	sshll.u32 s1, $0x13  }
0x7: {  	[smem:$0x7FF] =	sst s5;
	s17 =	smov.u32 s6;
	s16 =	smov.u32 s18  }
0x8: {  	s2 =	sshll.u32 s0, $0x12;
	s0 =	ssub.s32 $0x2, s0;
	_ =	strace $0x80000047  }
0x9: {  	s19 =	sor.u32 s2, s1;
	s26 =	sshrl.u32 s0, $0x1;
	s1 =	simm.s32 $0x0  }
0xa: {  	s2 =	sshrl.u32 s19, $0x3;
	s0 =	ssub.s32 s0, s26;
	s30 =	sor.u32 $0x8000, s19  }
0xb: {  	s31 =	sor.u32 $0xC000, s19;
	s26 =	simm.s32 $0x5;
	s29 =	sor.u32 $0x800, s2  }
0xc: {  	s7 =	sadd.s32 s4, s2;
	s8 =	sadd.s32 s18, s2;
	s11 =	sadd.s32 s6, s2  }
0xd: {  	s3 =	sor.u32 $0x1000, s2;
	s2 =	sor.u32 $0x1800, s2;
	[dreg:$0x5] =	wrdreg s30  }
0xe: {  	[dreg:$0x6] =	wrdreg s31;
	s0 =	smax.u32 s0, $0x1;
	s9 =	sadd.s32 s4, s29  }
0xf: {  	s10 =	sadd.s32 s18, s29;
	s12 =	sadd.s32 s4, s3;
	s13 =	sadd.s32 s18, s3  }
0x10: {  	s14 =	sadd.s32 s6, s29;
	s6 =	smov.u32 s4;
	s15 =	sadd.s32 s4, s2  }
0x11: {  	s4 =	sadd.s32 s18, s2;
	s18 =	smov.u32 s19;
	[dreg:$0x7] =	wrdreg s0  }
0x12: {  	s19 =	sadd.s32 $0x7000, s11;
	s20 =	sadd.s32 $0x7800, s11;
	[dreg:$0x4] =	wrdreg s4  }
.LBB2_1:
0x13: {  	[dreg:$0x8] =	wrdreg s1;
	s0 =	simm.s32 $0x10  }
0x14: {  	s3 =	sadd.s32 $0x0, s7;
	s1 =	simm.s32 $0x100;
	s2 =	simm.s32 $0x0  }
.LBB2_2:
0x15: {  	[tilespmem:s2], [sflag:$0x1] =	stream.linear.gather [hbm4b:s3+s5], $0x80, $0x38;
	[tilespmem:$0x18000] =	vst v63  }
0x16: {  	s3 =	smov.u32 s0;
	s2 =	smov.u32 s1;
	p0 =	sne.s32 s0, $0x7F0  }
.Ltmp0:
0x17: {  	s0 =	sadd.s32 $0x10, s0;
	(pc) =	sbr.rel @p0 .LBB2_2-.Ltmp0, $2  }
0x18: {  	_ =	sdelay $0x2  }
0x19: {  	s1 =	sadd.s32 $0x100, s1;
	s3 =	sadd.s32 s3, s7  }
0x1a: {  	[tilespmem:s2], [sflag:$0x1] =	stream.linear.gather [hbm4b:s3+s5], $0x80, $0x38;
	[tilespmem:$0x18000] =	vst v63  }
0x1b: {  	s0 =	simm.s32 $0x8000  }
0x1c: {  	s1 =	simm.s32 $0x10;
	s3 =	sadd.s32 $0x0, s8;
	s2 =	simm.s32 $0x8100  }
.LBB2_4:
0x1d: {  	[tilespmem:s0], [sflag:$0x3] =	stream.linear.gather [hbm4b:s3+s5], $0x80, $0x38;
	[tilespmem:$0x18000] =	vst v63  }
0x1e: {  	s3 =	smov.u32 s1;
	s0 =	smov.u32 s2;
	p0 =	sne.s32 s1, $0x7F0  }
.Ltmp1:
0x1f: {  	s1 =	sadd.s32 $0x10, s1;
	(pc) =	sbr.rel @p0 .LBB2_4-.Ltmp1, $2  }
0x20: {  	_ =	sdelay $0x2  }
0x21: {  	s2 =	sadd.s32 $0x100, s2;
	s3 =	sadd.s32 s3, s8  }
0x22: {  	[tilespmem:s0], [sflag:$0x3] =	stream.linear.gather [hbm4b:s3+s5], $0x80, $0x38;
	[tilespmem:$0x18000] =	vst v63  }
0x23: {  	s0 =	simm.s32 $0x80  }
0x24: {  	s1 =	simm.s32 $0x10;
	s3 =	sadd.s32 $0x0, s9;
	s2 =	simm.s32 $0x180  }
.LBB2_6:
0x25: {  	[tilespmem:s0], [sflag:$0x2] =	stream.linear.gather [hbm4b:s3+s5], $0x80, $0x38;
	[tilespmem:$0x18000] =	vst v63  }
0x26: {  	s3 =	smov.u32 s1;
	s0 =	smov.u32 s2;
	p0 =	sne.s32 s1, $0x7F0  }
.Ltmp2:
0x27: {  	s1 =	sadd.s32 $0x10, s1;
	(pc) =	sbr.rel @p0 .LBB2_6-.Ltmp2, $2  }
0x28: {  	_ =	sdelay $0x2  }
0x29: {  	s2 =	sadd.s32 $0x100, s2;
	s3 =	sadd.s32 s3, s9  }
0x2a: {  	[tilespmem:s0], [sflag:$0x2] =	stream.linear.gather [hbm4b:s3+s5], $0x80, $0x38;
	[tilespmem:$0x18000] =	vst v63  }
0x2b: {  	s0 =	simm.s32 $0x8080  }
0x2c: {  	s1 =	simm.s32 $0x10;
	s3 =	sadd.s32 $0x0, s10;
	s2 =	simm.s32 $0x8180  }
.LBB2_8:
0x2d: {  	[tilespmem:s0], [sflag:$0x4] =	stream.linear.gather [hbm4b:s3+s5], $0x80, $0x38;
	[tilespmem:$0x18000] =	vst v63  }
0x2e: {  	s3 =	smov.u32 s1;
	s0 =	smov.u32 s2;
	p0 =	sne.s32 s1, $0x7F0  }
.Ltmp3:
0x2f: {  	s1 =	sadd.s32 $0x10, s1;
	(pc) =	sbr.rel @p0 .LBB2_8-.Ltmp3, $2  }
0x30: {  	_ =	sdelay $0x2  }
0x31: {  	s2 =	sadd.s32 $0x100, s2;
	s3 =	sadd.s32 s3, s10  }
0x32: {  	[tilespmem:s0], [sflag:$0x4] =	stream.linear.gather [hbm4b:s3+s5], $0x80, $0x38;
	[tilespmem:$0x18000] =	vst v63  }
0x33: {  	_ =	swait.ge [sflag:s22], $0x4000  }
0x34: {  	[sflag:s22] =	ssyncset.done $0x0  }
0x35: {  	[sflag:s22] =	ssyncadd.s32 $0xFFFFC000  }
0x36: {  	_ =	swait.ge [sflag:s23], $0x4000  }
0x37: {  	[sflag:s23] =	ssyncset.done $0x0  }
0x38: {  	s2 =	simm.s32 $0x40;
	[sflag:s23] =	ssyncadd.s32 $0xFFFFC000  }
0x39: {  	s0 =	simm.s32 $0x8040;
	v1 =	vld [tilespmem:s2+$0x30]  }
0x3a: {  	v2 =	vld [tilespmem:s0+$0x30]  }
0x3b: {  	v0 =	vld [tilespmem:s0+$0xFFFFFFC0]  }
0x3c: {  	v3 =	vld [tilespmem:s2+$0xFFFFFFD0]  }
0x3d: {  	v4 =	vld [tilespmem:s0+$0xFFFFFFD0]  }
0x3e: {  	v5 =	vld [tilespmem:s2+$0xFFFFFFE0]  }
0x3f: {  	v6 =	vld [tilespmem:s0+$0xFFFFFFE0]  }
0x40: {  	v7 =	vld [tilespmem:s2+$0xFFFFFFF0]  }
0x41: {  	v8 =	vld [tilespmem:s0+$0xFFFFFFF0]  }
0x42: {  	v9 =	vld [tilespmem:s2+$0x0]  }
0x43: {  	v10 =	vld [tilespmem:s0+$0x0];
	v2 =	vadd.f32 v2, v1  }
0x44: {  	s1 =	simm.s32 $0x10040;
	v4 =	vadd.f32 v4, v3;
	v1 =	vld [tilespmem:s2+$0x10]  }
0x45: {  	v5 =	vadd.f32 v6, v5;
	v3 =	vld [tilespmem:s0+$0x10];
	[tilespmem:s1+$0x30] =	vst v2  }
0x46: {  	v6 =	vadd.f32 v8, v7;
	[tilespmem:s1+$0xFFFFFFD0] =	vst v4;
	v2 =	vld [tilespmem:s2+$0x20]  }
0x47: {  	[tilespmem:s1+$0xFFFFFFE0] =	vst v5;
	v5 =	vld [tilespmem:s0+$0x20]  }
0x48: {  	s21 =	simm.s32 $0x0;
	s29 =	simm.s32 $0x140;
	v4 =	vld [tilespmem:s2+$0xFFFFFFC0];
	[tilespmem:s1+$0xFFFFFFF0] =	vst v6;
	v6 =	vadd.f32 v10, v9  }
.LBB2_10:
0x49: {  	v7 =	vld [tilespmem:s29+$0x30];
	s0 =	sadd.s32 $0x100, s0  }
0x4a: {  	s21 =	sadd.s32 $0x80, s21;
	v8 =	vld [tilespmem:s0+$0x30];
	[tilespmem:s1+$0x0] =	vst v6;
	v1 =	vadd.f32 v3, v1  }
0x4b: {  	p0 =	slt.u32 s21, $0x3F80;
	v3 =	vld [tilespmem:s0+$0xFFFFFFC0]  }
0x4c: {  	v6 =	vld [tilespmem:s29+$0xFFFFFFD0];
	[tilespmem:s1+$0x10] =	vst v1;
	v1 =	vadd.f32 v5, v2  }
0x4d: {  	v2 =	vld [tilespmem:s0+$0xFFFFFFD0];
	v9 =	vadd.f32 v0, v4  }
0x4e: {  	v4 =	vld [tilespmem:s29+$0xFFFFFFE0];
	[tilespmem:s1+$0x20] =	vst v1  }
0x4f: {  	v1 =	vld [tilespmem:s0+$0xFFFFFFE0];
	v5 =	vadd.f32 v8, v7;
	[tilespmem:s1+$0xFFFFFFC0] =	vst v9  }
0x50: {  	s1 =	sadd.s32 $0x100, s1;
	v7 =	vld [tilespmem:s29+$0xFFFFFFF0];
	v0 =	vmov v3  }
0x51: {  	v8 =	vld [tilespmem:s0+$0xFFFFFFF0];
	[tilespmem:s1+$0x30] =	vst v5  }
0x52: {  	v2 =	vadd.f32 v2, v6;
	v6 =	vld [tilespmem:s29+$0x0]  }
0x53: {  	v9 =	vld [tilespmem:s0+$0x0]  }
.Ltmp4:
0x54: {  	[tilespmem:s1+$0xFFFFFFD0] =	vst v2;
	v2 =	vadd.f32 v1, v4;
	v1 =	vld [tilespmem:s29+$0x10];
	(pc) =	sbr.rel @p0 .LBB2_10-.Ltmp4, $4  }
0x55: {  	v3 =	vld [tilespmem:s0+$0x10]  }
0x56: {  	[tilespmem:s1+$0xFFFFFFE0] =	vst v2;
	v7 =	vadd.f32 v8, v7;
	v2 =	vld [tilespmem:s29+$0x20]  }
0x57: {  	v5 =	vld [tilespmem:s0+$0x20]  }
0x58: {  	v4 =	vld [tilespmem:s29+$0xFFFFFFC0];
	[tilespmem:s1+$0xFFFFFFF0] =	vst v7;
	v6 =	vadd.f32 v9, v6;
	s29 =	sadd.s32 $0x100, s29  }
0x59: {  	_ =	sdelay $0x1  }
0x5a: {  	v1 =	vadd.f32 v3, v1  }
0x5b: {  	[tilespmem:s1+$0x0] =	vst v6;
	v2 =	vadd.f32 v5, v2  }
0x5c: {  	[tilespmem:s1+$0x10] =	vst v1;
	v0 =	vadd.f32 v0, v4  }
0x5d: {  	s0 =	simm.s32 $0x10000;
	[tilespmem:s1+$0x20] =	vst v2  }
0x5e: {  	s3 =	sadd.s32 $0x0, s11;
	s2 =	simm.s32 $0x10100;
	[tilespmem:s1+$0xFFFFFFC0] =	vst v0;
	s1 =	simm.s32 $0x10  }
.LBB2_12:
0x5f: {  	[hbm4b:s3+s5] =	stream.linear.scatter [tilespmem:s0], [sflag:$0x5], $0x80, $0x38;
	[tilespmem:$0x18000] =	vst v63  }
0x60: {  	s3 =	smov.u32 s1;
	s0 =	smov.u32 s2;
	p0 =	sne.s32 s1, $0x7F0  }
.Ltmp5:
0x61: {  	s1 =	sadd.s32 $0x10, s1;
	(pc) =	sbr.rel @p0 .LBB2_12-.Ltmp5, $2  }
0x62: {  	_ =	sdelay $0x2  }
0x63: {  	s2 =	sadd.s32 $0x100, s2;
	s3 =	sadd.s32 s3, s11  }
0x64: {  	[hbm4b:s3+s5] =	stream.linear.scatter [tilespmem:s0], [sflag:$0x5], $0x80, $0x38;
	[tilespmem:$0x18000] =	vst v63  }
0x65: {  	s0 =	simm.s32 $0x0  }
0x66: {  	s1 =	simm.s32 $0x10;
	s3 =	sadd.s32 $0x0, s12;
	s2 =	simm.s32 $0x100  }
.LBB2_14:
0x67: {  	[tilespmem:s0], [sflag:$0x1] =	stream.linear.gather [hbm4b:s3+s5], $0x80, $0x38;
	[tilespmem:$0x18000] =	vst v63  }
0x68: {  	s3 =	smov.u32 s1;
	s0 =	smov.u32 s2;
	p0 =	sne.s32 s1, $0x7F0  }
.Ltmp6:
0x69: {  	s1 =	sadd.s32 $0x10, s1;
	(pc) =	sbr.rel @p0 .LBB2_14-.Ltmp6, $2  }
0x6a: {  	_ =	sdelay $0x2  }
0x6b: {  	s2 =	sadd.s32 $0x100, s2;
	s3 =	sadd.s32 s3, s12  }
0x6c: {  	[tilespmem:s0], [sflag:$0x1] =	stream.linear.gather [hbm4b:s3+s5], $0x80, $0x38;
	[tilespmem:$0x18000] =	vst v63  }
0x6d: {  	s0 =	simm.s32 $0x8000  }
0x6e: {  	s1 =	simm.s32 $0x10;
	s3 =	sadd.s32 $0x0, s13;
	s2 =	simm.s32 $0x8100  }
.LBB2_16:
0x6f: {  	[tilespmem:s0], [sflag:$0x3] =	stream.linear.gather [hbm4b:s3+s5], $0x80, $0x38;
	[tilespmem:$0x18000] =	vst v63  }
0x70: {  	s3 =	smov.u32 s1;
	s0 =	smov.u32 s2;
	p0 =	sne.s32 s1, $0x7F0  }
.Ltmp7:
0x71: {  	s1 =	sadd.s32 $0x10, s1;
	(pc) =	sbr.rel @p0 .LBB2_16-.Ltmp7, $2  }
0x72: {  	_ =	sdelay $0x2  }
0x73: {  	s2 =	sadd.s32 $0x100, s2;
	s3 =	sadd.s32 s3, s13  }
0x74: {  	[tilespmem:s0], [sflag:$0x3] =	stream.linear.gather [hbm4b:s3+s5], $0x80, $0x38;
	[tilespmem:$0x18000] =	vst v63  }
0x75: {  	_ =	swait.ge [sflag:s24], $0x4000  }
0x76: {  	[sflag:s24] =	ssyncset.done $0x0  }
0x77: {  	[sflag:s24] =	ssyncadd.s32 $0xFFFFC000  }
0x78: {  	_ =	swait.ge [sflag:s25], $0x4000  }
0x79: {  	[sflag:s25] =	ssyncset.done $0x0  }
0x7a: {  	s2 =	simm.s32 $0xF0;
	[sflag:s25] =	ssyncadd.s32 $0xFFFFC000  }
0x7b: {  	s0 =	simm.s32 $0x80F0;
	v1 =	vld [tilespmem:s2+$0x0]  }
0x7c: {  	v2 =	vld [tilespmem:s0+$0x0]  }
0x7d: {  	v0 =	vld [tilespmem:s0+$0xFFFFFF90]  }
0x7e: {  	v3 =	vld [tilespmem:s2+$0xFFFFFFA0]  }
0x7f: {  	v4 =	vld [tilespmem:s0+$0xFFFFFFA0]  }
0x80: {  	v5 =	vld [tilespmem:s2+$0xFFFFFFB0]  }
0x81: {  	v6 =	vld [tilespmem:s0+$0xFFFFFFB0]  }
0x82: {  	v7 =	vld [tilespmem:s2+$0xFFFFFFC0]  }
0x83: {  	v8 =	vld [tilespmem:s0+$0xFFFFFFC0]  }
0x84: {  	v9 =	vld [tilespmem:s2+$0xFFFFFFD0]  }
0x85: {  	v10 =	vld [tilespmem:s0+$0xFFFFFFD0];
	v2 =	vadd.f32 v2, v1  }
0x86: {  	s1 =	simm.s32 $0x100F0;
	v4 =	vadd.f32 v4, v3;
	v1 =	vld [tilespmem:s2+$0xFFFFFFE0]  }
0x87: {  	v5 =	vadd.f32 v6, v5;
	v3 =	vld [tilespmem:s0+$0xFFFFFFE0];
	[tilespmem:s1+$0x0] =	vst v2  }
0x88: {  	v6 =	vadd.f32 v8, v7;
	[tilespmem:s1+$0xFFFFFFA0] =	vst v4;
	v2 =	vld [tilespmem:s2+$0xFFFFFFF0]  }
0x89: {  	[tilespmem:s1+$0xFFFFFFB0] =	vst v5;
	v5 =	vld [tilespmem:s0+$0xFFFFFFF0]  }
0x8a: {  	s21 =	simm.s32 $0x0;
	s29 =	simm.s32 $0x1F0;
	v4 =	vld [tilespmem:s2+$0xFFFFFF90];
	[tilespmem:s1+$0xFFFFFFC0] =	vst v6;
	v6 =	vadd.f32 v10, v9  }
.LBB2_18:
0x8b: {  	v7 =	vld [tilespmem:s29+$0x0];
	s0 =	sadd.s32 $0x100, s0  }
0x8c: {  	s21 =	sadd.s32 $0x80, s21;
	v8 =	vld [tilespmem:s0+$0x0];
	[tilespmem:s1+$0xFFFFFFD0] =	vst v6;
	v1 =	vadd.f32 v3, v1  }
0x8d: {  	p0 =	slt.u32 s21, $0x3F80;
	v3 =	vld [tilespmem:s0+$0xFFFFFF90]  }
0x8e: {  	v6 =	vld [tilespmem:s29+$0xFFFFFFA0];
	[tilespmem:s1+$0xFFFFFFE0] =	vst v1;
	v1 =	vadd.f32 v5, v2  }
0x8f: {  	v2 =	vld [tilespmem:s0+$0xFFFFFFA0];
	v9 =	vadd.f32 v0, v4  }
0x90: {  	v4 =	vld [tilespmem:s29+$0xFFFFFFB0];
	[tilespmem:s1+$0xFFFFFFF0] =	vst v1  }
0x91: {  	v1 =	vld [tilespmem:s0+$0xFFFFFFB0];
	v5 =	vadd.f32 v8, v7;
	[tilespmem:s1+$0xFFFFFF90] =	vst v9  }
0x92: {  	s1 =	sadd.s32 $0x100, s1;
	v7 =	vld [tilespmem:s29+$0xFFFFFFC0];
	v0 =	vmov v3  }
0x93: {  	v8 =	vld [tilespmem:s0+$0xFFFFFFC0];
	[tilespmem:s1+$0x0] =	vst v5  }
0x94: {  	v2 =	vadd.f32 v2, v6;
	v6 =	vld [tilespmem:s29+$0xFFFFFFD0]  }
0x95: {  	v9 =	vld [tilespmem:s0+$0xFFFFFFD0]  }
.Ltmp8:
0x96: {  	[tilespmem:s1+$0xFFFFFFA0] =	vst v2;
	v2 =	vadd.f32 v1, v4;
	v1 =	vld [tilespmem:s29+$0xFFFFFFE0];
	(pc) =	sbr.rel @p0 .LBB2_18-.Ltmp8, $4  }
0x97: {  	v3 =	vld [tilespmem:s0+$0xFFFFFFE0]  }
0x98: {  	[tilespmem:s1+$0xFFFFFFB0] =	vst v2;
	v7 =	vadd.f32 v8, v7;
	v2 =	vld [tilespmem:s29+$0xFFFFFFF0]  }
0x99: {  	v5 =	vld [tilespmem:s0+$0xFFFFFFF0]  }
0x9a: {  	v4 =	vld [tilespmem:s29+$0xFFFFFF90];
	[tilespmem:s1+$0xFFFFFFC0] =	vst v7;
	v6 =	vadd.f32 v9, v6;
	s29 =	sadd.s32 $0x100, s29  }
0x9b: {  	_ =	sdelay $0x1  }
0x9c: {  	v1 =	vadd.f32 v3, v1  }
0x9d: {  	[tilespmem:s1+$0xFFFFFFD0] =	vst v6;
	v2 =	vadd.f32 v5, v2  }
0x9e: {  	[tilespmem:s1+$0xFFFFFFE0] =	vst v1;
	v0 =	vadd.f32 v0, v4  }
0x9f: {  	s0 =	simm.s32 $0x10080;
	[tilespmem:s1+$0xFFFFFFF0] =	vst v2  }
0xa0: {  	s3 =	sadd.s32 $0x0, s14;
	s2 =	simm.s32 $0x10180;
	[tilespmem:s1+$0xFFFFFF90] =	vst v0;
	s1 =	simm.s32 $0x10  }
.LBB2_20:
0xa1: {  	[hbm4b:s3+s5] =	stream.linear.scatter [tilespmem:s0], [sflag:$0x6], $0x80, $0x38;
	[tilespmem:$0x18000] =	vst v63  }
0xa2: {  	s3 =	smov.u32 s1;
	s0 =	smov.u32 s2;
	p0 =	sne.s32 s1, $0x7F0  }
.Ltmp9:
0xa3: {  	s1 =	sadd.s32 $0x10, s1;
	(pc) =	sbr.rel @p0 .LBB2_20-.Ltmp9, $2  }
0xa4: {  	_ =	sdelay $0x2  }
0xa5: {  	s2 =	sadd.s32 $0x100, s2;
	s3 =	sadd.s32 s3, s14  }
0xa6: {  	[hbm4b:s3+s5] =	stream.linear.scatter [tilespmem:s0], [sflag:$0x6], $0x80, $0x38;
	[tilespmem:$0x18000] =	vst v63  }
0xa7: {  	s0 =	simm.s32 $0x80  }
0xa8: {  	s1 =	simm.s32 $0x10;
	s3 =	sadd.s32 $0x0, s15;
	s2 =	simm.s32 $0x180  }
.LBB2_22:
0xa9: {  	[tilespmem:s0], [sflag:$0x2] =	stream.linear.gather [hbm4b:s3+s5], $0x80, $0x38;
	[tilespmem:$0x18000] =	vst v63  }
0xaa: {  	s3 =	smov.u32 s1;
	s0 =	smov.u32 s2;
	p0 =	sne.s32 s1, $0x7F0  }
.Ltmp10:
0xab: {  	s1 =	sadd.s32 $0x10, s1;
	(pc) =	sbr.rel @p0 .LBB2_22-.Ltmp10, $2  }
0xac: {  	_ =	sdelay $0x2  }
0xad: {  	s2 =	sadd.s32 $0x100, s2;
	s3 =	sadd.s32 s3, s15  }
0xae: {  	[tilespmem:s0], [sflag:$0x2] =	stream.linear.gather [hbm4b:s3+s5], $0x80, $0x38;
	[tilespmem:$0x18000] =	vst v63  }
0xaf: {  	s0 =	simm.s32 $0x0;
	s1 =	simm.s32 $0x8080  }
.LBB2_24:
0xb0: {  	p0 =	sne.s32 s0, $0x7F0  }
.Ltmp11:
0xb1: {  	_ = 	snop;
	(pc) =	sbr.rel @p0 .LBB2_24-.Ltmp11, $4  }
0xb2: {  	_ = 	snop  }
0xb3: {  	s2 =	sadd.s32 s0, s4  }
0xb4: {  	[tilespmem:s1], [sflag:$0x4] =	stream.linear.gather [hbm4b:s2+s5], $0x80, $0x38;
	[tilespmem:$0x18000] =	vst v63  }
0xb5: {  	s0 =	sadd.s32 $0x10, s0;
	s1 =	sadd.s32 $0x100, s1  }
0xb6: {  	s30 =	simm.s32 $0x1  }
.LBB2_26:
0xb7: {  	_ =	swait.ge [sflag:s22], $0x4000  }
0xb8: {  	[sflag:s22] =	ssyncset.done $0x0  }
0xb9: {  	[sflag:s22] =	ssyncadd.s32 $0xFFFFC000  }
0xba: {  	_ =	swait.ge [sflag:s23], $0x4000  }
0xbb: {  	[sflag:s23] =	ssyncset.done $0x0  }
0xbc: {  	[sflag:s23] =	ssyncadd.s32 $0xFFFFC000  }
0xbd: {  	_ =	swait.ge [sflag:s26], $0x4000  }
0xbe: {  	[sflag:s26] =	ssyncset.done $0x0  }
0xbf: {  	s2 =	simm.s32 $0x40;
	[sflag:s26] =	ssyncadd.s32 $0xFFFFC000  }
0xc0: {  	s0 =	simm.s32 $0x8040;
	v1 =	vld [tilespmem:s2+$0x30]  }
0xc1: {  	v2 =	vld [tilespmem:s0+$0x30]  }
0xc2: {  	v0 =	vld [tilespmem:s0+$0xFFFFFFC0]  }
0xc3: {  	v3 =	vld [tilespmem:s2+$0xFFFFFFD0]  }
0xc4: {  	v4 =	vld [tilespmem:s0+$0xFFFFFFD0]  }
0xc5: {  	v5 =	vld [tilespmem:s2+$0xFFFFFFE0]  }
0xc6: {  	v6 =	vld [tilespmem:s0+$0xFFFFFFE0]  }
0xc7: {  	v7 =	vld [tilespmem:s2+$0xFFFFFFF0]  }
0xc8: {  	v8 =	vld [tilespmem:s0+$0xFFFFFFF0]  }
0xc9: {  	v9 =	vld [tilespmem:s2+$0x0]  }
0xca: {  	v10 =	vld [tilespmem:s0+$0x0];
	v2 =	vadd.f32 v2, v1  }
0xcb: {  	s1 =	simm.s32 $0x10040;
	v3 =	vadd.f32 v4, v3;
	v1 =	vld [tilespmem:s2+$0x10]  }
0xcc: {  	v5 =	vadd.f32 v6, v5;
	v4 =	vld [tilespmem:s0+$0x10];
	[tilespmem:s1+$0x30] =	vst v2  }
0xcd: {  	v6 =	vadd.f32 v8, v7;
	[tilespmem:s1+$0xFFFFFFD0] =	vst v3;
	v2 =	vld [tilespmem:s2+$0x20]  }
0xce: {  	[tilespmem:s1+$0xFFFFFFE0] =	vst v5;
	v5 =	vld [tilespmem:s0+$0x20]  }
0xcf: {  	s21 =	simm.s32 $0x0;
	s29 =	simm.s32 $0x140;
	v3 =	vld [tilespmem:s2+$0xFFFFFFC0];
	[tilespmem:s1+$0xFFFFFFF0] =	vst v6;
	v6 =	vadd.f32 v10, v9  }
.LBB2_27:
0xd0: {  	v7 =	vld [tilespmem:s29+$0x30];
	s0 =	sadd.s32 $0x100, s0  }
0xd1: {  	s21 =	sadd.s32 $0x80, s21;
	v8 =	vld [tilespmem:s0+$0x30];
	[tilespmem:s1+$0x0] =	vst v6;
	v1 =	vadd.f32 v4, v1  }
0xd2: {  	p0 =	slt.u32 s21, $0x3F80;
	v4 =	vld [tilespmem:s0+$0xFFFFFFC0]  }
0xd3: {  	v6 =	vld [tilespmem:s29+$0xFFFFFFD0];
	[tilespmem:s1+$0x10] =	vst v1;
	v1 =	vadd.f32 v5, v2  }
0xd4: {  	v2 =	vld [tilespmem:s0+$0xFFFFFFD0];
	v9 =	vadd.f32 v0, v3  }
0xd5: {  	v3 =	vld [tilespmem:s29+$0xFFFFFFE0];
	[tilespmem:s1+$0x20] =	vst v1  }
0xd6: {  	v1 =	vld [tilespmem:s0+$0xFFFFFFE0];
	v5 =	vadd.f32 v8, v7;
	[tilespmem:s1+$0xFFFFFFC0] =	vst v9  }
0xd7: {  	s1 =	sadd.s32 $0x100, s1;
	v7 =	vld [tilespmem:s29+$0xFFFFFFF0];
	v0 =	vmov v4  }
0xd8: {  	v8 =	vld [tilespmem:s0+$0xFFFFFFF0];
	[tilespmem:s1+$0x30] =	vst v5  }
0xd9: {  	v2 =	vadd.f32 v2, v6;
	v6 =	vld [tilespmem:s29+$0x0]  }
0xda: {  	v9 =	vld [tilespmem:s0+$0x0]  }
.Ltmp12:
0xdb: {  	[tilespmem:s1+$0xFFFFFFD0] =	vst v2;
	v2 =	vadd.f32 v1, v3;
	v1 =	vld [tilespmem:s29+$0x10];
	(pc) =	sbr.rel @p0 .LBB2_27-.Ltmp12, $4  }
0xdc: {  	v4 =	vld [tilespmem:s0+$0x10]  }
0xdd: {  	[tilespmem:s1+$0xFFFFFFE0] =	vst v2;
	v7 =	vadd.f32 v8, v7;
	v2 =	vld [tilespmem:s29+$0x20]  }
0xde: {  	v5 =	vld [tilespmem:s0+$0x20]  }
0xdf: {  	v3 =	vld [tilespmem:s29+$0xFFFFFFC0];
	[tilespmem:s1+$0xFFFFFFF0] =	vst v7;
	v6 =	vadd.f32 v9, v6;
	s29 =	sadd.s32 $0x100, s29  }
0xe0: {  	_ =	sdelay $0x1  }
0xe1: {  	s31 =	sshll.u32 s30, $0xF;
	v1 =	vadd.f32 v4, v1  }
0xe2: {  	[tilespmem:s1+$0x0] =	vst v6;
	s0 =	sor.u32 s18, s31;
	v2 =	vadd.f32 v5, v2  }
0xe3: {  	s0 =	sshrl.u32 s0, $0x3;
	[tilespmem:s1+$0x10] =	vst v1;
	v0 =	vadd.f32 v0, v3  }
0xe4: {  	s21 =	simm.s32 $0x10000;
	s2 =	sadd.s32 s17, s0;
	[tilespmem:s1+$0x20] =	vst v2  }
0xe5: {  	s29 =	simm.s32 $0x10100;
	s3 =	sadd.s32 $0x0, s2;
	[tilespmem:s1+$0xFFFFFFC0] =	vst v0;
	s1 =	simm.s32 $0x10  }
.LBB2_29:
0xe6: {  	[hbm4b:s3+s5] =	stream.linear.scatter [tilespmem:s21], [sflag:$0x5], $0x80, $0x38;
	[tilespmem:$0x18000] =	vst v63  }
0xe7: {  	s3 =	smov.u32 s1;
	s21 =	smov.u32 s29;
	p0 =	sne.s32 s1, $0x7F0  }
.Ltmp13:
0xe8: {  	s1 =	sadd.s32 $0x10, s1;
	(pc) =	sbr.rel @p0 .LBB2_29-.Ltmp13, $2  }
0xe9: {  	_ =	sdelay $0x2  }
0xea: {  	s29 =	sadd.s32 $0x100, s29;
	s3 =	sadd.s32 s3, s2  }
0xeb: {  	[hbm4b:s3+s5] =	stream.linear.scatter [tilespmem:s21], [sflag:$0x5], $0x80, $0x38;
	[tilespmem:$0x18000] =	vst v63  }
0xec: {  	s1 =	rddreg [dreg:$0x5]  }
0xed: {  	s1 =	sadd.s32 s31, s1  }
0xee: {  	s1 =	sshrl.u32 s1, $0x3  }
0xef: {  	s21 =	simm.s32 $0x0;
	s2 =	sadd.s32 s6, s1  }
0xf0: {  	s29 =	simm.s32 $0x10;
	s3 =	simm.s32 $0x100;
	s4 =	sadd.s32 $0x0, s2  }
.LBB2_31:
0xf1: {  	[tilespmem:s21], [sflag:$0x1] =	stream.linear.gather [hbm4b:s4+s5], $0x80, $0x38;
	[tilespmem:$0x18000] =	vst v63  }
0xf2: {  	s4 =	smov.u32 s29;
	s21 =	smov.u32 s3;
	p0 =	sne.s32 s29, $0x7F0  }
.Ltmp14:
0xf3: {  	s29 =	sadd.s32 $0x10, s29;
	(pc) =	sbr.rel @p0 .LBB2_31-.Ltmp14, $2  }
0xf4: {  	_ =	sdelay $0x2  }
0xf5: {  	s3 =	sadd.s32 $0x100, s3;
	s4 =	sadd.s32 s4, s2  }
0xf6: {  	[tilespmem:s21], [sflag:$0x1] =	stream.linear.gather [hbm4b:s4+s5], $0x80, $0x38;
	[tilespmem:$0x18000] =	vst v63  }
0xf7: {  	s1 =	sadd.s32 s16, s1;
	s2 =	simm.s32 $0x8000  }
0xf8: {  	s21 =	simm.s32 $0x10;
	s3 =	simm.s32 $0x8100;
	s4 =	sadd.s32 $0x0, s1  }
.LBB2_33:
0xf9: {  	[tilespmem:s2], [sflag:$0x3] =	stream.linear.gather [hbm4b:s4+s5], $0x80, $0x38;
	[tilespmem:$0x18000] =	vst v63  }
0xfa: {  	s4 =	smov.u32 s21;
	s2 =	smov.u32 s3;
	p0 =	sne.s32 s21, $0x7F0  }
.Ltmp15:
0xfb: {  	s21 =	sadd.s32 $0x10, s21;
	(pc) =	sbr.rel @p0 .LBB2_33-.Ltmp15, $2  }
0xfc: {  	_ =	sdelay $0x2  }
0xfd: {  	s3 =	sadd.s32 $0x100, s3;
	s4 =	sadd.s32 s4, s1  }
0xfe: {  	[tilespmem:s2], [sflag:$0x3] =	stream.linear.gather [hbm4b:s4+s5], $0x80, $0x38;
	[tilespmem:$0x18000] =	vst v63  }
0xff: {  	_ =	swait.ge [sflag:s24], $0x4000  }
0x100: {  	[sflag:s24] =	ssyncset.done $0x0  }
0x101: {  	[sflag:s24] =	ssyncadd.s32 $0xFFFFC000  }
0x102: {  	_ =	swait.ge [sflag:s25], $0x4000  }
0x103: {  	[sflag:s25] =	ssyncset.done $0x0  }
0x104: {  	[sflag:s25] =	ssyncadd.s32 $0xFFFFC000  }
0x105: {  	_ =	swait.ge [sflag:s28], $0x4000  }
0x106: {  	[sflag:s28] =	ssyncset.done $0x0  }
0x107: {  	s4 =	simm.s32 $0xF0;
	[sflag:s28] =	ssyncadd.s32 $0xFFFFC000  }
0x108: {  	s1 =	simm.s32 $0x80F0;
	v1 =	vld [tilespmem:s4+$0x0]  }
0x109: {  	v2 =	vld [tilespmem:s1+$0x0]  }
0x10a: {  	v0 =	vld [tilespmem:s1+$0xFFFFFF90]  }
0x10b: {  	v3 =	vld [tilespmem:s4+$0xFFFFFFA0]  }
0x10c: {  	v4 =	vld [tilespmem:s1+$0xFFFFFFA0]  }
0x10d: {  	v5 =	vld [tilespmem:s4+$0xFFFFFFB0]  }
0x10e: {  	v6 =	vld [tilespmem:s1+$0xFFFFFFB0]  }
0x10f: {  	v7 =	vld [tilespmem:s4+$0xFFFFFFC0]  }
0x110: {  	v8 =	vld [tilespmem:s1+$0xFFFFFFC0]  }
0x111: {  	v9 =	vld [tilespmem:s4+$0xFFFFFFD0]  }
0x112: {  	v10 =	vld [tilespmem:s1+$0xFFFFFFD0];
	v2 =	vadd.f32 v2, v1  }
0x113: {  	s21 =	simm.s32 $0x100F0;
	v4 =	vadd.f32 v4, v3;
	v1 =	vld [tilespmem:s4+$0xFFFFFFE0]  }
0x114: {  	v5 =	vadd.f32 v6, v5;
	v3 =	vld [tilespmem:s1+$0xFFFFFFE0];
	[tilespmem:s21+$0x0] =	vst v2  }
0x115: {  	v6 =	vadd.f32 v8, v7;
	[tilespmem:s21+$0xFFFFFFA0] =	vst v4;
	v2 =	vld [tilespmem:s4+$0xFFFFFFF0]  }
0x116: {  	[tilespmem:s21+$0xFFFFFFB0] =	vst v5;
	v5 =	vld [tilespmem:s1+$0xFFFFFFF0]  }
0x117: {  	s29 =	simm.s32 $0x0;
	s2 =	simm.s32 $0x1F0;
	v4 =	vld [tilespmem:s4+$0xFFFFFF90];
	[tilespmem:s21+$0xFFFFFFC0] =	vst v6;
	v6 =	vadd.f32 v10, v9  }
.LBB2_35:
0x118: {  	v7 =	vld [tilespmem:s2+$0x0];
	s1 =	sadd.s32 $0x100, s1  }
0x119: {  	s29 =	sadd.s32 $0x80, s29;
	v8 =	vld [tilespmem:s1+$0x0];
	[tilespmem:s21+$0xFFFFFFD0] =	vst v6;
	v1 =	vadd.f32 v3, v1  }
0x11a: {  	p0 =	slt.u32 s29, $0x3F80;
	v3 =	vld [tilespmem:s1+$0xFFFFFF90]  }
0x11b: {  	v6 =	vld [tilespmem:s2+$0xFFFFFFA0];
	[tilespmem:s21+$0xFFFFFFE0] =	vst v1;
	v1 =	vadd.f32 v5, v2  }
0x11c: {  	v2 =	vld [tilespmem:s1+$0xFFFFFFA0];
	v9 =	vadd.f32 v0, v4  }
0x11d: {  	v4 =	vld [tilespmem:s2+$0xFFFFFFB0];
	[tilespmem:s21+$0xFFFFFFF0] =	vst v1  }
0x11e: {  	v1 =	vld [tilespmem:s1+$0xFFFFFFB0];
	v5 =	vadd.f32 v8, v7;
	[tilespmem:s21+$0xFFFFFF90] =	vst v9  }
0x11f: {  	s21 =	sadd.s32 $0x100, s21;
	v7 =	vld [tilespmem:s2+$0xFFFFFFC0];
	v0 =	vmov v3  }
0x120: {  	v8 =	vld [tilespmem:s1+$0xFFFFFFC0];
	[tilespmem:s21+$0x0] =	vst v5  }
0x121: {  	v2 =	vadd.f32 v2, v6;
	v6 =	vld [tilespmem:s2+$0xFFFFFFD0]  }
0x122: {  	v9 =	vld [tilespmem:s1+$0xFFFFFFD0]  }
.Ltmp16:
0x123: {  	[tilespmem:s21+$0xFFFFFFA0] =	vst v2;
	v2 =	vadd.f32 v1, v4;
	v1 =	vld [tilespmem:s2+$0xFFFFFFE0];
	(pc) =	sbr.rel @p0 .LBB2_35-.Ltmp16, $4  }
0x124: {  	v3 =	vld [tilespmem:s1+$0xFFFFFFE0]  }
0x125: {  	[tilespmem:s21+$0xFFFFFFB0] =	vst v2;
	v7 =	vadd.f32 v8, v7;
	v2 =	vld [tilespmem:s2+$0xFFFFFFF0]  }
0x126: {  	v5 =	vld [tilespmem:s1+$0xFFFFFFF0]  }
0x127: {  	v4 =	vld [tilespmem:s2+$0xFFFFFF90];
	[tilespmem:s21+$0xFFFFFFC0] =	vst v7;
	v6 =	vadd.f32 v9, v6;
	s2 =	sadd.s32 $0x100, s2  }
0x128: {  	_ =	sdelay $0x1  }
0x129: {  	v1 =	vadd.f32 v3, v1  }
0x12a: {  	[tilespmem:s21+$0xFFFFFFD0] =	vst v6;
	v2 =	vadd.f32 v5, v2  }
0x12b: {  	s0 =	sadd.s32 s0, s17;
	[tilespmem:s21+$0xFFFFFFE0] =	vst v1;
	v0 =	vadd.f32 v0, v4  }
0x12c: {  	s1 =	simm.s32 $0x10080;
	s0 =	sadd.s32 $0x800, s0;
	[tilespmem:s21+$0xFFFFFFF0] =	vst v2  }
0x12d: {  	s2 =	simm.s32 $0x10;
	s3 =	simm.s32 $0x10180;
	s4 =	sadd.s32 $0x0, s0;
	[tilespmem:s21+$0xFFFFFF90] =	vst v0  }
.LBB2_37:
0x12e: {  	[hbm4b:s4+s5] =	stream.linear.scatter [tilespmem:s1], [sflag:$0x6], $0x80, $0x38;
	[tilespmem:$0x18000] =	vst v63  }
0x12f: {  	s4 =	smov.u32 s2;
	s1 =	smov.u32 s3;
	p0 =	sne.s32 s2, $0x7F0  }
.Ltmp17:
0x130: {  	s2 =	sadd.s32 $0x10, s2;
	(pc) =	sbr.rel @p0 .LBB2_37-.Ltmp17, $2  }
0x131: {  	_ =	sdelay $0x2  }
0x132: {  	s3 =	sadd.s32 $0x100, s3;
	s4 =	sadd.s32 s4, s0  }
0x133: {  	[hbm4b:s4+s5] =	stream.linear.scatter [tilespmem:s1], [sflag:$0x6], $0x80, $0x38;
	[tilespmem:$0x18000] =	vst v63  }
0x134: {  	s0 =	rddreg [dreg:$0x6]  }
0x135: {  	s0 =	sadd.s32 s31, s0  }
0x136: {  	s0 =	sshrl.u32 s0, $0x3  }
0x137: {  	s2 =	simm.s32 $0x80;
	s1 =	sadd.s32 s6, s0  }
0x138: {  	s21 =	simm.s32 $0x10;
	s3 =	simm.s32 $0x180;
	s4 =	sadd.s32 $0x0, s1  }
.LBB2_39:
0x139: {  	[tilespmem:s2], [sflag:$0x2] =	stream.linear.gather [hbm4b:s4+s5], $0x80, $0x38;
	[tilespmem:$0x18000] =	vst v63  }
0x13a: {  	s4 =	smov.u32 s21;
	s2 =	smov.u32 s3;
	p0 =	sne.s32 s21, $0x7F0  }
.Ltmp18:
0x13b: {  	s21 =	sadd.s32 $0x10, s21;
	(pc) =	sbr.rel @p0 .LBB2_39-.Ltmp18, $2  }
0x13c: {  	_ =	sdelay $0x2  }
0x13d: {  	s3 =	sadd.s32 $0x100, s3;
	s4 =	sadd.s32 s4, s1  }
0x13e: {  	[tilespmem:s2], [sflag:$0x2] =	stream.linear.gather [hbm4b:s4+s5], $0x80, $0x38;
	[tilespmem:$0x18000] =	vst v63  }
0x13f: {  	s0 =	sadd.s32 s16, s0;
	s1 =	simm.s32 $0x8080  }
0x140: {  	s2 =	simm.s32 $0x10;
	s3 =	simm.s32 $0x8180;
	s4 =	sadd.s32 $0x0, s0  }
.LBB2_41:
0x141: {  	[tilespmem:s1], [sflag:$0x4] =	stream.linear.gather [hbm4b:s4+s5], $0x80, $0x38;
	[tilespmem:$0x18000] =	vst v63  }
0x142: {  	s4 =	smov.u32 s2;
	s1 =	smov.u32 s3;
	p0 =	sne.s32 s2, $0x7F0  }
.Ltmp19:
0x143: {  	s2 =	sadd.s32 $0x10, s2;
	(pc) =	sbr.rel @p0 .LBB2_41-.Ltmp19, $2  }
0x144: {  	_ =	sdelay $0x2  }
0x145: {  	s3 =	sadd.s32 $0x100, s3;
	s4 =	sadd.s32 s4, s0  }
0x146: {  	s30 =	sadd.s32 $0x1, s30  }
0x147: {  	p0 =	sne.s32 s30, $0x7  }
.Ltmp20:
0x148: {  	_ = 	snop;
	(pc) =	sbr.rel @p0 .LBB2_26-.Ltmp20, $2  }
0x149: {  	_ =	sdelay $0x2  }
0x14a: {  	[tilespmem:s1], [sflag:$0x4] =	stream.linear.gather [hbm4b:s4+s5], $0x80, $0x38;
	[tilespmem:$0x18000] =	vst v63  }
0x14b: {  	_ =	swait.ge [sflag:s22], $0x4000  }
0x14c: {  	[sflag:s22] =	ssyncset.done $0x0  }
0x14d: {  	[sflag:s22] =	ssyncadd.s32 $0xFFFFC000  }
0x14e: {  	_ =	swait.ge [sflag:s23], $0x4000  }
0x14f: {  	[sflag:s23] =	ssyncset.done $0x0  }
0x150: {  	[sflag:s23] =	ssyncadd.s32 $0xFFFFC000  }
0x151: {  	_ =	swait.ge [sflag:s26], $0x4000  }
0x152: {  	[sflag:s26] =	ssyncset.done $0x0  }
0x153: {  	s2 =	simm.s32 $0x40;
	[sflag:s26] =	ssyncadd.s32 $0xFFFFC000  }
0x154: {  	s0 =	simm.s32 $0x8040;
	v1 =	vld [tilespmem:s2+$0x30]  }
0x155: {  	v2 =	vld [tilespmem:s0+$0x30]  }
0x156: {  	v0 =	vld [tilespmem:s0+$0xFFFFFFC0]  }
0x157: {  	v3 =	vld [tilespmem:s2+$0xFFFFFFD0]  }
0x158: {  	v4 =	vld [tilespmem:s0+$0xFFFFFFD0]  }
0x159: {  	v5 =	vld [tilespmem:s2+$0xFFFFFFE0]  }
0x15a: {  	v6 =	vld [tilespmem:s0+$0xFFFFFFE0]  }
0x15b: {  	v7 =	vld [tilespmem:s2+$0xFFFFFFF0]  }
0x15c: {  	v8 =	vld [tilespmem:s0+$0xFFFFFFF0]  }
0x15d: {  	v9 =	vld [tilespmem:s2+$0x0]  }
0x15e: {  	v10 =	vld [tilespmem:s0+$0x0];
	v2 =	vadd.f32 v2, v1  }
0x15f: {  	s1 =	simm.s32 $0x10040;
	v4 =	vadd.f32 v4, v3;
	v1 =	vld [tilespmem:s2+$0x10]  }
0x160: {  	v5 =	vadd.f32 v6, v5;
	v3 =	vld [tilespmem:s0+$0x10];
	[tilespmem:s1+$0x30] =	vst v2  }
0x161: {  	v6 =	vadd.f32 v8, v7;
	[tilespmem:s1+$0xFFFFFFD0] =	vst v4;
	v2 =	vld [tilespmem:s2+$0x20]  }
0x162: {  	[tilespmem:s1+$0xFFFFFFE0] =	vst v5;
	v5 =	vld [tilespmem:s0+$0x20]  }
0x163: {  	s21 =	simm.s32 $0x0;
	v4 =	vld [tilespmem:s2+$0xFFFFFFC0];
	[tilespmem:s1+$0xFFFFFFF0] =	vst v6;
	v6 =	vadd.f32 v10, v9;
	s2 =	simm.s32 $0x140  }
.LBB2_44:
0x164: {  	v7 =	vld [tilespmem:s2+$0x30];
	s0 =	sadd.s32 $0x100, s0  }
0x165: {  	s21 =	sadd.s32 $0x80, s21;
	v8 =	vld [tilespmem:s0+$0x30];
	[tilespmem:s1+$0x0] =	vst v6;
	v1 =	vadd.f32 v3, v1  }
0x166: {  	p0 =	slt.u32 s21, $0x3F80;
	v3 =	vld [tilespmem:s0+$0xFFFFFFC0]  }
0x167: {  	v6 =	vld [tilespmem:s2+$0xFFFFFFD0];
	[tilespmem:s1+$0x10] =	vst v1;
	v1 =	vadd.f32 v5, v2  }
0x168: {  	v2 =	vld [tilespmem:s0+$0xFFFFFFD0];
	v9 =	vadd.f32 v0, v4  }
0x169: {  	v4 =	vld [tilespmem:s2+$0xFFFFFFE0];
	[tilespmem:s1+$0x20] =	vst v1  }
0x16a: {  	v1 =	vld [tilespmem:s0+$0xFFFFFFE0];
	v5 =	vadd.f32 v8, v7;
	[tilespmem:s1+$0xFFFFFFC0] =	vst v9  }
0x16b: {  	s1 =	sadd.s32 $0x100, s1;
	v7 =	vld [tilespmem:s2+$0xFFFFFFF0];
	v0 =	vmov v3  }
0x16c: {  	v8 =	vld [tilespmem:s0+$0xFFFFFFF0];
	[tilespmem:s1+$0x30] =	vst v5  }
0x16d: {  	v2 =	vadd.f32 v2, v6;
	v6 =	vld [tilespmem:s2+$0x0]  }
0x16e: {  	v9 =	vld [tilespmem:s0+$0x0]  }
.Ltmp21:
0x16f: {  	[tilespmem:s1+$0xFFFFFFD0] =	vst v2;
	v2 =	vadd.f32 v1, v4;
	v1 =	vld [tilespmem:s2+$0x10];
	(pc) =	sbr.rel @p0 .LBB2_44-.Ltmp21, $4  }
0x170: {  	v3 =	vld [tilespmem:s0+$0x10]  }
0x171: {  	[tilespmem:s1+$0xFFFFFFE0] =	vst v2;
	v7 =	vadd.f32 v8, v7;
	v2 =	vld [tilespmem:s2+$0x20]  }
0x172: {  	v5 =	vld [tilespmem:s0+$0x20]  }
0x173: {  	v4 =	vld [tilespmem:s2+$0xFFFFFFC0];
	[tilespmem:s1+$0xFFFFFFF0] =	vst v7;
	v6 =	vadd.f32 v9, v6;
	s2 =	sadd.s32 $0x100, s2  }
0x174: {  	_ =	sdelay $0x1  }
0x175: {  	v1 =	vadd.f32 v3, v1  }
0x176: {  	[tilespmem:s1+$0x0] =	vst v6;
	v2 =	vadd.f32 v5, v2  }
0x177: {  	[tilespmem:s1+$0x10] =	vst v1;
	v0 =	vadd.f32 v0, v4  }
0x178: {  	[tilespmem:s1+$0x20] =	vst v2  }
0x179: {  	s0 =	simm.s32 $0x10000;
	s3 =	sadd.s32 $0x0, s19;
	[tilespmem:s1+$0xFFFFFFC0] =	vst v0  }
0x17a: {  	s2 =	simm.s32 $0x10100;
	s1 =	simm.s32 $0x10;
	s4 =	rddreg [dreg:$0x4]  }
.LBB2_46:
0x17b: {  	[hbm4b:s3+s5] =	stream.linear.scatter [tilespmem:s0], [sflag:$0x5], $0x80, $0x38;
	[tilespmem:$0x18000] =	vst v63  }
0x17c: {  	s3 =	smov.u32 s1;
	s0 =	smov.u32 s2;
	p0 =	sne.s32 s1, $0x7F0  }
.Ltmp22:
0x17d: {  	s1 =	sadd.s32 $0x10, s1;
	(pc) =	sbr.rel @p0 .LBB2_46-.Ltmp22, $2  }
0x17e: {  	_ =	sdelay $0x2  }
0x17f: {  	s2 =	sadd.s32 $0x100, s2;
	s3 =	sadd.s32 s3, s19  }
0x180: {  	[hbm4b:s3+s5] =	stream.linear.scatter [tilespmem:s0], [sflag:$0x5], $0x80, $0x38;
	[tilespmem:$0x18000] =	vst v63  }
0x181: {  	_ =	swait.ge [sflag:s24], $0x4000  }
0x182: {  	[sflag:s24] =	ssyncset.done $0x0  }
0x183: {  	[sflag:s24] =	ssyncadd.s32 $0xFFFFC000  }
0x184: {  	_ =	swait.ge [sflag:s25], $0x4000  }
0x185: {  	[sflag:s25] =	ssyncset.done $0x0  }
0x186: {  	[sflag:s25] =	ssyncadd.s32 $0xFFFFC000  }
0x187: {  	_ =	swait.ge [sflag:s28], $0x4000  }
0x188: {  	[sflag:s28] =	ssyncset.done $0x0  }
0x189: {  	s2 =	simm.s32 $0xF0;
	[sflag:s28] =	ssyncadd.s32 $0xFFFFC000  }
0x18a: {  	s0 =	simm.s32 $0x80F0;
	v1 =	vld [tilespmem:s2+$0x0]  }
0x18b: {  	v2 =	vld [tilespmem:s0+$0x0]  }
0x18c: {  	v0 =	vld [tilespmem:s0+$0xFFFFFF90]  }
0x18d: {  	v3 =	vld [tilespmem:s2+$0xFFFFFFA0]  }
0x18e: {  	v4 =	vld [tilespmem:s0+$0xFFFFFFA0]  }
0x18f: {  	v5 =	vld [tilespmem:s2+$0xFFFFFFB0]  }
0x190: {  	v6 =	vld [tilespmem:s0+$0xFFFFFFB0]  }
0x191: {  	v7 =	vld [tilespmem:s2+$0xFFFFFFC0]  }
0x192: {  	v8 =	vld [tilespmem:s0+$0xFFFFFFC0]  }
0x193: {  	v9 =	vld [tilespmem:s2+$0xFFFFFFD0]  }
0x194: {  	v10 =	vld [tilespmem:s0+$0xFFFFFFD0];
	v2 =	vadd.f32 v2, v1  }
0x195: {  	s1 =	simm.s32 $0x100F0;
	v4 =	vadd.f32 v4, v3;
	v1 =	vld [tilespmem:s2+$0xFFFFFFE0]  }
0x196: {  	v5 =	vadd.f32 v6, v5;
	v3 =	vld [tilespmem:s0+$0xFFFFFFE0];
	[tilespmem:s1+$0x0] =	vst v2  }
0x197: {  	v6 =	vadd.f32 v8, v7;
	[tilespmem:s1+$0xFFFFFFA0] =	vst v4;
	v2 =	vld [tilespmem:s2+$0xFFFFFFF0]  }
0x198: {  	[tilespmem:s1+$0xFFFFFFB0] =	vst v5;
	v5 =	vld [tilespmem:s0+$0xFFFFFFF0]  }
0x199: {  	s21 =	simm.s32 $0x0;
	v4 =	vld [tilespmem:s2+$0xFFFFFF90];
	[tilespmem:s1+$0xFFFFFFC0] =	vst v6;
	v6 =	vadd.f32 v10, v9;
	s2 =	simm.s32 $0x1F0  }
.LBB2_48:
0x19a: {  	v7 =	vld [tilespmem:s2+$0x0];
	s0 =	sadd.s32 $0x100, s0  }
0x19b: {  	s21 =	sadd.s32 $0x80, s21;
	v8 =	vld [tilespmem:s0+$0x0];
	[tilespmem:s1+$0xFFFFFFD0] =	vst v6;
	v1 =	vadd.f32 v3, v1  }
0x19c: {  	p0 =	slt.u32 s21, $0x3F80;
	v3 =	vld [tilespmem:s0+$0xFFFFFF90]  }
0x19d: {  	v6 =	vld [tilespmem:s2+$0xFFFFFFA0];
	[tilespmem:s1+$0xFFFFFFE0] =	vst v1;
	v1 =	vadd.f32 v5, v2  }
0x19e: {  	v2 =	vld [tilespmem:s0+$0xFFFFFFA0];
	v9 =	vadd.f32 v0, v4  }
0x19f: {  	v4 =	vld [tilespmem:s2+$0xFFFFFFB0];
	[tilespmem:s1+$0xFFFFFFF0] =	vst v1  }
0x1a0: {  	v1 =	vld [tilespmem:s0+$0xFFFFFFB0];
	v5 =	vadd.f32 v8, v7;
	[tilespmem:s1+$0xFFFFFF90] =	vst v9  }
0x1a1: {  	s1 =	sadd.s32 $0x100, s1;
	v7 =	vld [tilespmem:s2+$0xFFFFFFC0];
	v0 =	vmov v3  }
0x1a2: {  	v8 =	vld [tilespmem:s0+$0xFFFFFFC0];
	[tilespmem:s1+$0x0] =	vst v5  }
0x1a3: {  	v2 =	vadd.f32 v2, v6;
	v6 =	vld [tilespmem:s2+$0xFFFFFFD0]  }
0x1a4: {  	v9 =	vld [tilespmem:s0+$0xFFFFFFD0]  }
.Ltmp23:
0x1a5: {  	[tilespmem:s1+$0xFFFFFFA0] =	vst v2;
	v2 =	vadd.f32 v1, v4;
	v1 =	vld [tilespmem:s2+$0xFFFFFFE0];
	(pc) =	sbr.rel @p0 .LBB2_48-.Ltmp23, $4  }
0x1a6: {  	v3 =	vld [tilespmem:s0+$0xFFFFFFE0]  }
0x1a7: {  	[tilespmem:s1+$0xFFFFFFB0] =	vst v2;
	v7 =	vadd.f32 v8, v7;
	v2 =	vld [tilespmem:s2+$0xFFFFFFF0]  }
0x1a8: {  	v5 =	vld [tilespmem:s0+$0xFFFFFFF0]  }
0x1a9: {  	v4 =	vld [tilespmem:s2+$0xFFFFFF90];
	[tilespmem:s1+$0xFFFFFFC0] =	vst v7;
	v6 =	vadd.f32 v9, v6;
	s2 =	sadd.s32 $0x100, s2  }
0x1aa: {  	_ =	sdelay $0x1  }
0x1ab: {  	v1 =	vadd.f32 v3, v1  }
0x1ac: {  	[tilespmem:s1+$0xFFFFFFD0] =	vst v6;
	v2 =	vadd.f32 v5, v2  }
0x1ad: {  	[tilespmem:s1+$0xFFFFFFE0] =	vst v1;
	v0 =	vadd.f32 v0, v4  }
0x1ae: {  	s0 =	simm.s32 $0x10080;
	[tilespmem:s1+$0xFFFFFFF0] =	vst v2  }
0x1af: {  	s3 =	sadd.s32 $0x0, s20;
	s2 =	simm.s32 $0x10180;
	[tilespmem:s1+$0xFFFFFF90] =	vst v0;
	s1 =	simm.s32 $0x10  }
.LBB2_50:
0x1b0: {  	[hbm4b:s3+s5] =	stream.linear.scatter [tilespmem:s0], [sflag:$0x6], $0x80, $0x38;
	[tilespmem:$0x18000] =	vst v63  }
0x1b1: {  	s3 =	smov.u32 s1;
	s0 =	smov.u32 s2;
	p0 =	sne.s32 s1, $0x7F0  }
.Ltmp24:
0x1b2: {  	s1 =	sadd.s32 $0x10, s1;
	(pc) =	sbr.rel @p0 .LBB2_50-.Ltmp24, $2  }
0x1b3: {  	_ =	sdelay $0x2  }
0x1b4: {  	s2 =	sadd.s32 $0x100, s2;
	s3 =	sadd.s32 s3, s20  }
0x1b5: {  	[hbm4b:s3+s5] =	stream.linear.scatter [tilespmem:s0], [sflag:$0x6], $0x80, $0x38;
	[tilespmem:$0x18000] =	vst v63  }
0x1b6: {  	_ =	swait.ge [sflag:s26], $0x4000  }
0x1b7: {  	[sflag:s26] =	ssyncset.done $0x0  }
0x1b8: {  	[sflag:s26] =	ssyncadd.s32 $0xFFFFC000  }
0x1b9: {  	_ =	swait.ge [sflag:s28], $0x4000  }
0x1ba: {  	s1 =	rddreg [dreg:$0x8]  }
0x1bb: {  	s31 =	rddreg [dreg:$0x7];
	s1 =	sadd.s32 $0x1, s1  }
0x1bc: {  	p0 =	sne.s32 s1, s31  }
.Ltmp25:
0x1bd: {  	_ = 	snop;
	(pc) =	sbr.rel @p0 .LBB2_1-.Ltmp25, $3  }
0x1be: {  	_ =	sdelay $0x1  }
0x1bf: {  	[sflag:s28] =	ssyncset.done $0x0  }
0x1c0: {  	[sflag:s28] =	ssyncadd.s32 $0xFFFFC000  }
0x1c1: {  	_ =	sfence.sel $0x180000  }
0x1c2: {  	[bflag:$0x0] =	sbarrier.arrive $0xFFFF  }
0x1c3: {  	_ =	strace $0x90000047  }
0x1c4: {  	s0 =	stileid.u32;
	[bflag:$0x2] =	sbarrier.arrive $0xFFFF  }
0x1c5: {  	p0 =	sne.s32 s0, $0x0;
	s0 =	rddreg [dreg:$0x3]  }
0x1c6: {  	s0 =	sadd.s32 @!p0 $0x100000, s0  }
0x1c7: {  	[sflag:s0] =	ssyncadd.tile.s32 @!p0 $0x1;
	_ =	shalt  }
.Lfunc_end2:
_tile_overlayer_lowered:
.L_overlay_start_2:
0x1c8: {  	(tag) =	ssettag $0x2  }
0x1c9: {  	s0 =	rddreg [dreg:$0x0];
	s2 =	stileid.u32  }
0x1ca: {  	s1 =	rddreg [dreg:$0x1];
	p0 =	sne.s32 s2, $0x0  }
0x1cb: {  	s3 =	rddreg [dreg:$0x2];
	[bflag:$0x3] =	sbarrier.arrive $0xFFFF;
	s2 =	simm.s32 @!p0 $0x1C07  }
0x1cc: {  	[timem:s3], [sflag:s2] =	dma.local @!p0 [hbm:s0], s1  }
0x1cd: {  	s0 =	simm.s32 @!p0 $0x7  }
0x1ce: {  	_ =	swait.ge @!p0 [sflag:s0], s1  }
0x1cf: {  	s1 =	ssub.s32 @!p0 $0x0, s1;
	[sflag:s0] =	ssyncset.done @!p0 $0x0  }
0x1d0: {  	[sflag:s0] =	ssyncadd.s32 @!p0 s1  }
0x1d1: {  	[bflag:$0x3] =	sbarrier.arrive $0xFFFF  }
0x1d2: {  	_ =	shalt  }

</sc_bundles>
